<compile_context>
chip_gen: v7x
topology: tpu7x:2x2x1
jax: 0.10.2.dev20260603
libtpu: 0.0.44.dev20260713+nightly
codegen_flags: <defaults>
</compile_context>

<pallas_src>
import functools

import jax
import jax.numpy as jnp
from jax.experimental import pallas as pl
from jax.experimental.pallas import tpu as pltpu
from jax.experimental.pallas import tpu_sc as plsc

_SHAPE = (2, 16384, 1024)
_FLAT_ROWS = 2 * _SHAPE[1]
_N_CHUNKS = 16
_CHUNK_ROWS = _FLAT_ROWS // _N_CHUNKS
_NBUF = 4
_PATCH_CHUNK = _SHAPE[1] // _CHUNK_ROWS
_TILE = (8, 128)

_sc_mesh = plsc.VectorSubcoreMesh(core_axis_name="c", subcore_axis_name="s")


@functools.partial(
    pl.kernel,
    mesh=_sc_mesh,
    out_type=jax.ShapeDtypeStruct(_TILE, jnp.float32),
    scratch_types=[
        pltpu.VMEM(_TILE, jnp.float32),
        pltpu.VMEM((16,), jnp.float32),
    ],
)
def _sc_rmw(key_hbm, cache_hbm, patch_hbm, tile_v, key_v):
    cid = jax.lax.axis_index("c")
    sid = jax.lax.axis_index("s")

    @pl.when((cid == 0) & (sid == 0))
    def _():
        pltpu.sync_copy(key_hbm, key_v)
        pltpu.sync_copy(
            cache_hbm.at[1, pl.ds(0, _TILE[0]), pl.ds(0, _TILE[1])], tile_v
        )
        lane = jax.lax.iota(jnp.int32, 16)
        chunk = tile_v[0, pl.ds(0, 16)]
        tile_v[0, pl.ds(0, 16)] = chunk + jnp.where(
            lane == 1, 2.0 * key_v[...], 0.0
        )
        pltpu.sync_copy(tile_v, patch_hbm)


def _copy_stitch_kernel(in_ref, patch_ref, out_ref, bufs, sem_in, sem_out):
    def start_in(i):
        pltpu.make_async_copy(
            in_ref.at[pl.ds(i * _CHUNK_ROWS, _CHUNK_ROWS), :],
            bufs.at[i % _NBUF],
            sem_in.at[i % _NBUF],
        ).start()

    def wait_in(i):
        pltpu.make_async_copy(
            in_ref.at[pl.ds(i * _CHUNK_ROWS, _CHUNK_ROWS), :],
            bufs.at[i % _NBUF],
            sem_in.at[i % _NBUF],
        ).wait()

    def start_out(i):
        pltpu.make_async_copy(
            bufs.at[i % _NBUF],
            out_ref.at[pl.ds(i * _CHUNK_ROWS, _CHUNK_ROWS), :],
            sem_out.at[i % _NBUF],
        ).start()

    def wait_out(i):
        pltpu.make_async_copy(
            bufs.at[i % _NBUF],
            out_ref.at[pl.ds(i * _CHUNK_ROWS, _CHUNK_ROWS), :],
            sem_out.at[i % _NBUF],
        ).wait()

    lookahead = _NBUF // 2
    for i in range(lookahead):
        start_in(i)
    for i in range(_N_CHUNKS):
        nxt = i + lookahead
        if nxt < _N_CHUNKS:
            if nxt >= _NBUF:
                wait_out(nxt - _NBUF)
            start_in(nxt)
        wait_in(i)
        if i == _PATCH_CHUNK:
            bufs[i % _NBUF, 0 : _TILE[0], 0 : _TILE[1]] = patch_ref[...]
        start_out(i)
    for i in range(_N_CHUNKS - _NBUF, _N_CHUNKS):
        wait_out(i)


def kernel(key, cache_next):
    key16 = jnp.broadcast_to(key, (16,))
    patch = _sc_rmw(key16, cache_next)
    flat = cache_next.reshape(_FLAT_ROWS, _SHAPE[2])
    out = pl.pallas_call(
        _copy_stitch_kernel,
        out_shape=jax.ShapeDtypeStruct((_FLAT_ROWS, _SHAPE[2]), jnp.float32),
        in_specs=[
            pl.BlockSpec(memory_space=pl.ANY),
            pl.BlockSpec(memory_space=pltpu.VMEM),
        ],
        out_specs=pl.BlockSpec(memory_space=pl.ANY),
        scratch_shapes=[
            pltpu.VMEM((_NBUF, _CHUNK_ROWS, _SHAPE[2]), jnp.float32),
            pltpu.SemaphoreType.DMA((_NBUF,)),
            pltpu.SemaphoreType.DMA((_NBUF,)),
        ],
    )(flat, patch)
    return key, out.reshape(_SHAPE)

# --- scband reference (transcript-rebuilt; emitter-appended) ---
"""Pipeline reference for scband-cache1-11879879541727 (READ-ONLY COPY).

The authoritative reference and input builder live on the scoring server;
editing this copy changes nothing except your own understanding.
"""

import jax, jax.numpy as jnp
import numpy as np


def setup_inputs(seed: int = 0) -> dict:
    key = jax.random.key(seed)
    k1, k2 = jax.random.split(key)
    key_t = jax.random.normal(k1, (1,), dtype=jnp.float32)
    cache_next = jax.random.normal(k2, (2, 16384, 1024), dtype=jnp.float32)
    return {"key": key_t, "cache_next": cache_next}


def reference(key, cache_next):
    # Faithful translation of:
    #   cache_line = cache_next.select(0, 1)
    #   cache_line[0, 1] = cache_line[0, 1] + 2 * key   (in-place on cache_next)
    #   return key
    # JAX is functional, so the in-place side effect is materialized by
    # returning the updated cache alongside key.
    cache_next_updated = cache_next.at[1, 0, 1].add(2.0 * key[0])
    return key, cache_next_updated

if __name__ == "__main__":
    import jax
    _d = setup_inputs()
    print(jax.jit(kernel)(*tuple(_d.values())))

</pallas_src>

<mosaic_0001>
#map = affine_map<(d0, d1) -> (0)>
#map1 = affine_map<(d0, d1) -> (0, 0, 0)>
#map2 = affine_map<(d0, d1) -> (0, 0)>
module attributes {stable_mosaic.version = 14 : i64} {
  func.func @_sc_rmw(%arg0: i32, %arg1: i32, %arg2: memref<16xf32, #tpu.memory_space<hbm>>, %arg3: memref<2x16384x1024xf32, #tpu.memory_space<hbm>>, %arg4: memref<8x128xf32, #tpu.memory_space<hbm>>, %arg5: memref<8x128xf32, #tpu.memory_space<vmem>>, %arg6: memref<16xf32, #tpu.memory_space<vmem>>) attributes {dimension_semantics = [#tpu.dimension_semantics<core_parallel>, #tpu.dimension_semantics<subcore_parallel>], iteration_bounds = array<i64: 2, 16>, scalar_prefetch = 0 : i64, scratch_operands = 2 : i64, tpu.core_type = #tpu.core_type<sc_vector_subcore>, window_params = [{transform_indices = #map}, {transform_indices = #map1}, {transform_indices = #map2}]} {
    %eq3A = arith.constant 0 : i32
    %eq3A_0 = arith.cmpi eq, %arg0, %eq3A : i32
    %eq3A_1 = arith.constant 0 : i32
    %eq3A_2 = arith.cmpi eq, %arg1, %eq3A_1 : i32
    %and3A = arith.andi %eq3A_0, %eq3A_2 : i1
    %convert_element_type3A = arith.extui %and3A : i1 to i32
    %cond3A = arith.constant 0 : i32
    %cond3A_3 = arith.cmpi ne, %convert_element_type3A, %cond3A : i32
    scf.if %cond3A_3 {
      "tpu.region"() ({
        %run_scoped3A_21 = tpu.sem_alloc : memref<!tpu.dma_semaphore, #tpu.memory_space<semaphore_mem>>
        tpu.enqueue_dma source(%arg2 : memref<16xf32, #tpu.memory_space<hbm>>) target(%arg6 : memref<16xf32, #tpu.memory_space<vmem>>) target_semaphore(%run_scoped3A_21 : memref<!tpu.dma_semaphore, #tpu.memory_space<semaphore_mem>>)
        tpu.wait_dma2 semaphore(%run_scoped3A_21 : memref<!tpu.dma_semaphore, #tpu.memory_space<semaphore_mem>>) src(%arg2 : memref<16xf32, #tpu.memory_space<hbm>>) dst(%arg6 : memref<16xf32, #tpu.memory_space<vmem>>)
        tpu.yield
      }) : () -> ()
      %run_scoped3A = arith.constant 1 : i32
      "tpu.region"() ({
        %run_scoped3A_21 = tpu.sem_alloc : memref<!tpu.dma_semaphore, #tpu.memory_space<semaphore_mem>>
        %dma_start3A = arith.constant 0 : i32
        %dma_start3A_22 = arith.constant 0 : i32
        %dma_start3A_23 = tpu.memref_slice %arg3[%run_scoped3A, %dma_start3A, %dma_start3A_22] : memref<2x16384x1024xf32, #tpu.memory_space<hbm>> -> memref<1x8x128xf32, #tpu.memory_space<hbm>>
        %dma_start3A_24 = tpu.memref_squeeze %dma_start3A_23 : memref<1x8x128xf32, #tpu.memory_space<hbm>> -> memref<8x128xf32, #tpu.memory_space<hbm>>
        %dma_start3A_25 = arith.constant 0 : i32
        %dma_start3A_26 = arith.constant 0 : i32
        %dma_start3A_27 = tpu.memref_slice %arg3[%run_scoped3A, %dma_start3A_25, %dma_start3A_26] : memref<2x16384x1024xf32, #tpu.memory_space<hbm>> -> memref<1x8x128xf32, #tpu.memory_space<hbm>>
        %dma_start3A_28 = tpu.memref_squeeze %dma_start3A_27 : memref<1x8x128xf32, #tpu.memory_space<hbm>> -> memref<8x128xf32, #tpu.memory_space<hbm>>
        tpu.enqueue_dma source(%dma_start3A_28 : memref<8x128xf32, #tpu.memory_space<hbm>>) target(%arg5 : memref<8x128xf32, #tpu.memory_space<vmem>>) target_semaphore(%run_scoped3A_21 : memref<!tpu.dma_semaphore, #tpu.memory_space<semaphore_mem>>)
        %dma_wait3A = arith.constant 0 : i32
        %dma_wait3A_29 = arith.constant 0 : i32
        %dma_wait3A_30 = tpu.memref_slice %arg3[%run_scoped3A, %dma_wait3A, %dma_wait3A_29] : memref<2x16384x1024xf32, #tpu.memory_space<hbm>> -> memref<1x8x128xf32, #tpu.memory_space<hbm>>
        %dma_wait3A_31 = tpu.memref_squeeze %dma_wait3A_30 : memref<1x8x128xf32, #tpu.memory_space<hbm>> -> memref<8x128xf32, #tpu.memory_space<hbm>>
        %dma_wait3A_32 = arith.constant 0 : i32
        %dma_wait3A_33 = arith.constant 0 : i32
        %dma_wait3A_34 = tpu.memref_slice %arg3[%run_scoped3A, %dma_wait3A_32, %dma_wait3A_33] : memref<2x16384x1024xf32, #tpu.memory_space<hbm>> -> memref<1x8x128xf32, #tpu.memory_space<hbm>>
        %dma_wait3A_35 = tpu.memref_squeeze %dma_wait3A_34 : memref<1x8x128xf32, #tpu.memory_space<hbm>> -> memref<8x128xf32, #tpu.memory_space<hbm>>
        tpu.wait_dma2 semaphore(%run_scoped3A_21 : memref<!tpu.dma_semaphore, #tpu.memory_space<semaphore_mem>>) src(%dma_wait3A_35 : memref<8x128xf32, #tpu.memory_space<hbm>>) dst(%arg5 : memref<8x128xf32, #tpu.memory_space<vmem>>)
        tpu.yield
      }) : () -> ()
      %iota3A = tpu.iota {dimensions = array<i32: 0>} : vector<16xi32>
      %get3A = arith.constant 0 : i32
      %get3A_4 = arith.index_cast %get3A : i32 to index
      %get3A_5 = arith.constant 0 : index
      %get3A_6 = tpu.vector_load %arg5[%get3A_4, %get3A_5] {strides = array<i32>} : memref<8x128xf32, #tpu.memory_space<vmem>>, vector<1x16xf32>,
      %get3A_7 = vector.shape_cast %get3A_6 : vector<1x16xf32> to vector<16xf32>
      %eq3A_8 = arith.constant 1 : i32
      %eq3A_9 = vector.broadcast %eq3A_8 : i32 to vector<16xi32>
      %eq3A_10 = arith.cmpi eq, %iota3A, %eq3A_9 : vector<16xi32>
      %get3A_11 = arith.constant 0 : index
      %get3A_12 = tpu.vector_load %arg6[%get3A_11] {strides = array<i32>} : memref<16xf32, #tpu.memory_space<vmem>>, vector<16xf32>,
      %get3A_13 = vector.shape_cast %get3A_12 : vector<16xf32> to vector<16xf32>
      %mul3A = arith.constant 2.000000e+00 : f32
      %mul3A_14 = vector.broadcast %mul3A : f32 to vector<16xf32>
      %mul3A_15 = arith.mulf %mul3A_14, %get3A_13 : vector<16xf32>
      %jit3A = arith.constant 0.000000e+00 : f32
      %broadcast_in_dim3A = vector.broadcast %jit3A : f32 to vector<16xf32>
      %select_n3A = arith.select %eq3A_10, %mul3A_15, %broadcast_in_dim3A : vector<16xi1>, vector<16xf32>
      %add3A = arith.addf %get3A_7, %select_n3A : vector<16xf32>
      %swap3A = arith.constant 0 : i32
      %swap3A_16 = arith.index_cast %swap3A : i32 to index
      %swap3A_17 = arith.constant 0 : index
      %swap3A_18 = tpu.vector_load %arg5[%swap3A_16, %swap3A_17] {strides = array<i32>} : memref<8x128xf32, #tpu.memory_space<vmem>>, vector<1x16xf32>,
      %swap3A_19 = vector.shape_cast %swap3A_18 : vector<1x16xf32> to vector<16xf32>
      %swap3A_20 = vector.shape_cast %add3A : vector<16xf32> to vector<1x16xf32>
      tpu.vector_store %arg5[%swap3A_16, %swap3A_17], %swap3A_20 {strides = array<i32>} : memref<8x128xf32, #tpu.memory_space<vmem>>, vector<1x16xf32>,
      "tpu.region"() ({
        %run_scoped3A_21 = tpu.sem_alloc : memref<!tpu.dma_semaphore, #tpu.memory_space<semaphore_mem>>
        tpu.enqueue_dma source(%arg5 : memref<8x128xf32, #tpu.memory_space<vmem>>) target(%arg4 : memref<8x128xf32, #tpu.memory_space<hbm>>) target_semaphore(%run_scoped3A_21 : memref<!tpu.dma_semaphore, #tpu.memory_space<semaphore_mem>>)
        tpu.wait_dma2 semaphore(%run_scoped3A_21 : memref<!tpu.dma_semaphore, #tpu.memory_space<semaphore_mem>>) src(%arg5 : memref<8x128xf32, #tpu.memory_space<vmem>>) dst(%arg4 : memref<8x128xf32, #tpu.memory_space<hbm>>)
        tpu.yield
      }) : () -> ()
    } else {
    }
    return
  }
}

module attributes {stable_mosaic.version = 14 : i64} {
  func.func @_copy_stitch_kernel(%arg0: memref<32768x1024xf32, #tpu.memory_space<any>>, %arg1: memref<8x128xf32, #tpu.memory_space<vmem>>, %arg2: memref<32768x1024xf32, #tpu.memory_space<any>>, %arg3: memref<4x2048x1024xf32, #tpu.memory_space<vmem>>, %arg4: memref<4x!tpu.dma_semaphore, #tpu.memory_space<semaphore_mem>>, %arg5: memref<4x!tpu.dma_semaphore, #tpu.memory_space<semaphore_mem>>) attributes {dimension_semantics = [], scalar_prefetch = 0 : i64, scratch_operands = 3 : i64, tpu.core_type = #tpu.core_type<tc>} {
    %dma_start3A = arith.constant 0 : i32
    %dma_start3A_0 = arith.constant 0 : i32
    %dma_start3A_1 = tpu.memref_slice %arg4[%dma_start3A_0] : memref<4x!tpu.dma_semaphore, #tpu.memory_space<semaphore_mem>> -> memref<1x!tpu.dma_semaphore, #tpu.memory_space<semaphore_mem>>
    %dma_start3A_2 = tpu.memref_squeeze %dma_start3A_1 : memref<1x!tpu.dma_semaphore, #tpu.memory_space<semaphore_mem>> -> memref<!tpu.dma_semaphore, #tpu.memory_space<semaphore_mem>>
    %dma_start3A_3 = arith.constant 0 : i32
    %dma_start3A_4 = arith.constant 0 : i32
    %dma_start3A_5 = tpu.memref_slice %arg3[%dma_start3A, %dma_start3A_3, %dma_start3A_4] : memref<4x2048x1024xf32, #tpu.memory_space<vmem>> -> memref<1x2048x1024xf32, #tpu.memory_space<vmem>>
    %dma_start3A_6 = tpu.memref_squeeze %dma_start3A_5 : memref<1x2048x1024xf32, #tpu.memory_space<vmem>> -> memref<2048x1024xf32, #tpu.memory_space<vmem>>
    %dma_start3A_7 = arith.constant 0 : i32
    %dma_start3A_8 = arith.constant 0 : i32
    %dma_start3A_9 = tpu.memref_slice %arg0[%dma_start3A_7, %dma_start3A_8] : memref<32768x1024xf32, #tpu.memory_space<any>> -> memref<2048x1024xf32, #tpu.memory_space<any>>
    tpu.enqueue_dma source(%dma_start3A_9 : memref<2048x1024xf32, #tpu.memory_space<any>>) target(%dma_start3A_6 : memref<2048x1024xf32, #tpu.memory_space<vmem>>) target_semaphore(%dma_start3A_2 : memref<!tpu.dma_semaphore, #tpu.memory_space<semaphore_mem>>)
    %dma_start3A_10 = arith.constant 1 : i32
    %dma_start3A_11 = arith.constant 1 : i32
    %dma_start3A_12 = tpu.memref_slice %arg4[%dma_start3A_11] : memref<4x!tpu.dma_semaphore, #tpu.memory_space<semaphore_mem>> -> memref<1x!tpu.dma_semaphore, #tpu.memory_space<semaphore_mem>>
    %dma_start3A_13 = tpu.memref_squeeze %dma_start3A_12 : memref<1x!tpu.dma_semaphore, #tpu.memory_space<semaphore_mem>> -> memref<!tpu.dma_semaphore, #tpu.memory_space<semaphore_mem>>
    %dma_start3A_14 = arith.constant 0 : i32
    %dma_start3A_15 = arith.constant 0 : i32
    %dma_start3A_16 = tpu.memref_slice %arg3[%dma_start3A_10, %dma_start3A_14, %dma_start3A_15] : memref<4x2048x1024xf32, #tpu.memory_space<vmem>> -> memref<1x2048x1024xf32, #tpu.memory_space<vmem>>
    %dma_start3A_17 = tpu.memref_squeeze %dma_start3A_16 : memref<1x2048x1024xf32, #tpu.memory_space<vmem>> -> memref<2048x1024xf32, #tpu.memory_space<vmem>>
    %dma_start3A_18 = arith.constant 2048 : i32
    %dma_start3A_19 = arith.constant 0 : i32
    %dma_start3A_20 = tpu.memref_slice %arg0[%dma_start3A_18, %dma_start3A_19] : memref<32768x1024xf32, #tpu.memory_space<any>> -> memref<2048x1024xf32, #tpu.memory_space<any>>
    tpu.enqueue_dma source(%dma_start3A_20 : memref<2048x1024xf32, #tpu.memory_space<any>>) target(%dma_start3A_17 : memref<2048x1024xf32, #tpu.memory_space<vmem>>) target_semaphore(%dma_start3A_13 : memref<!tpu.dma_semaphore, #tpu.memory_space<semaphore_mem>>)
    %dma_start3A_21 = arith.constant 2 : i32
    %dma_start3A_22 = arith.constant 2 : i32
    %dma_start3A_23 = tpu.memref_slice %arg4[%dma_start3A_22] : memref<4x!tpu.dma_semaphore, #tpu.memory_space<semaphore_mem>> -> memref<1x!tpu.dma_semaphore, #tpu.memory_space<semaphore_mem>>
    %dma_start3A_24 = tpu.memref_squeeze %dma_start3A_23 : memref<1x!tpu.dma_semaphore, #tpu.memory_space<semaphore_mem>> -> memref<!tpu.dma_semaphore, #tpu.memory_space<semaphore_mem>>
    %dma_start3A_25 = arith.constant 0 : i32
    %dma_start3A_26 = arith.constant 0 : i32
    %dma_start3A_27 = tpu.memref_slice %arg3[%dma_start3A_21, %dma_start3A_25, %dma_start3A_26] : memref<4x2048x1024xf32, #tpu.memory_space<vmem>> -> memref<1x2048x1024xf32, #tpu.memory_space<vmem>>
    %dma_start3A_28 = tpu.memref_squeeze %dma_start3A_27 : memref<1x2048x1024xf32, #tpu.memory_space<vmem>> -> memref<2048x1024xf32, #tpu.memory_space<vmem>>
    %dma_start3A_29 = arith.constant 4096 : i32
    %dma_start3A_30 = arith.constant 0 : i32
    %dma_start3A_31 = tpu.memref_slice %arg0[%dma_start3A_29, %dma_start3A_30] : memref<32768x1024xf32, #tpu.memory_space<any>> -> memref<2048x1024xf32, #tpu.memory_space<any>>
    tpu.enqueue_dma source(%dma_start3A_31 : memref<2048x1024xf32, #tpu.memory_space<any>>) target(%dma_start3A_28 : memref<2048x1024xf32, #tpu.memory_space<vmem>>) target_semaphore(%dma_start3A_24 : memref<!tpu.dma_semaphore, #tpu.memory_space<semaphore_mem>>)
    %dma_wait3A = arith.constant 0 : i32
    %dma_wait3A_32 = arith.constant 0 : i32
    %dma_wait3A_33 = tpu.memref_slice %arg4[%dma_wait3A_32] : memref<4x!tpu.dma_semaphore, #tpu.memory_space<semaphore_mem>> -> memref<1x!tpu.dma_semaphore, #tpu.memory_space<semaphore_mem>>
    %dma_wait3A_34 = tpu.memref_squeeze %dma_wait3A_33 : memref<1x!tpu.dma_semaphore, #tpu.memory_space<semaphore_mem>> -> memref<!tpu.dma_semaphore, #tpu.memory_space<semaphore_mem>>
    %dma_wait3A_35 = arith.constant 0 : i32
    %dma_wait3A_36 = arith.constant 0 : i32
    %dma_wait3A_37 = tpu.memref_slice %arg3[%dma_wait3A, %dma_wait3A_35, %dma_wait3A_36] : memref<4x2048x1024xf32, #tpu.memory_space<vmem>> -> memref<1x2048x1024xf32, #tpu.memory_space<vmem>>
    %dma_wait3A_38 = tpu.memref_squeeze %dma_wait3A_37 : memref<1x2048x1024xf32, #tpu.memory_space<vmem>> -> memref<2048x1024xf32, #tpu.memory_space<vmem>>
    %dma_wait3A_39 = arith.constant 0 : i32
    %dma_wait3A_40 = arith.constant 0 : i32
    %dma_wait3A_41 = tpu.memref_slice %arg0[%dma_wait3A_39, %dma_wait3A_40] : memref<32768x1024xf32, #tpu.memory_space<any>> -> memref<2048x1024xf32, #tpu.memory_space<any>>
    tpu.wait_dma2 semaphore(%dma_wait3A_34 : memref<!tpu.dma_semaphore, #tpu.memory_space<semaphore_mem>>) src(%dma_wait3A_41 : memref<2048x1024xf32, #tpu.memory_space<any>>) dst(%dma_wait3A_38 : memref<2048x1024xf32, #tpu.memory_space<vmem>>)
    %dma_start3A_42 = arith.constant 0 : i32
    %dma_start3A_43 = arith.constant 0 : i32
    %dma_start3A_44 = tpu.memref_slice %arg5[%dma_start3A_43] : memref<4x!tpu.dma_semaphore, #tpu.memory_space<semaphore_mem>> -> memref<1x!tpu.dma_semaphore, #tpu.memory_space<semaphore_mem>>
    %dma_start3A_45 = tpu.memref_squeeze %dma_start3A_44 : memref<1x!tpu.dma_semaphore, #tpu.memory_space<semaphore_mem>> -> memref<!tpu.dma_semaphore, #tpu.memory_space<semaphore_mem>>
    %dma_start3A_46 = arith.constant 0 : i32
    %dma_start3A_47 = arith.constant 0 : i32
    %dma_start3A_48 = tpu.memref_slice %arg2[%dma_start3A_46, %dma_start3A_47] : memref<32768x1024xf32, #tpu.memory_space<any>> -> memref<2048x1024xf32, #tpu.memory_space<any>>
    %dma_start3A_49 = arith.constant 0 : i32
    %dma_start3A_50 = arith.constant 0 : i32
    %dma_start3A_51 = tpu.memref_slice %arg3[%dma_start3A_42, %dma_start3A_49, %dma_start3A_50] : memref<4x2048x1024xf32, #tpu.memory_space<vmem>> -> memref<1x2048x1024xf32, #tpu.memory_space<vmem>>
    %dma_start3A_52 = tpu.memref_squeeze %dma_start3A_51 : memref<1x2048x1024xf32, #tpu.memory_space<vmem>> -> memref<2048x1024xf32, #tpu.memory_space<vmem>>
    tpu.enqueue_dma source(%dma_start3A_52 : memref<2048x1024xf32, #tpu.memory_space<vmem>>) target(%dma_start3A_48 : memref<2048x1024xf32, #tpu.memory_space<any>>) target_semaphore(%dma_start3A_45 : memref<!tpu.dma_semaphore, #tpu.memory_space<semaphore_mem>>)
    %dma_start3A_53 = arith.constant 3 : i32
    %dma_start3A_54 = arith.constant 3 : i32
    %dma_start3A_55 = tpu.memref_slice %arg4[%dma_start3A_54] : memref<4x!tpu.dma_semaphore, #tpu.memory_space<semaphore_mem>> -> memref<1x!tpu.dma_semaphore, #tpu.memory_space<semaphore_mem>>
    %dma_start3A_56 = tpu.memref_squeeze %dma_start3A_55 : memref<1x!tpu.dma_semaphore, #tpu.memory_space<semaphore_mem>> -> memref<!tpu.dma_semaphore, #tpu.memory_space<semaphore_mem>>
    %dma_start3A_57 = arith.constant 0 : i32
    %dma_start3A_58 = arith.constant 0 : i32
    %dma_start3A_59 = tpu.memref_slice %arg3[%dma_start3A_53, %dma_start3A_57, %dma_start3A_58] : memref<4x2048x1024xf32, #tpu.memory_space<vmem>> -> memref<1x2048x1024xf32, #tpu.memory_space<vmem>>
    %dma_start3A_60 = tpu.memref_squeeze %dma_start3A_59 : memref<1x2048x1024xf32, #tpu.memory_space<vmem>> -> memref<2048x1024xf32, #tpu.memory_space<vmem>>
    %dma_start3A_61 = arith.constant 6144 : i32
    %dma_start3A_62 = arith.constant 0 : i32
    %dma_start3A_63 = tpu.memref_slice %arg0[%dma_start3A_61, %dma_start3A_62] : memref<32768x1024xf32, #tpu.memory_space<any>> -> memref<2048x1024xf32, #tpu.memory_space<any>>
    tpu.enqueue_dma source(%dma_start3A_63 : memref<2048x1024xf32, #tpu.memory_space<any>>) target(%dma_start3A_60 : memref<2048x1024xf32, #tpu.memory_space<vmem>>) target_semaphore(%dma_start3A_56 : memref<!tpu.dma_semaphore, #tpu.memory_space<semaphore_mem>>)
    %dma_wait3A_64 = arith.constant 1 : i32
    %dma_wait3A_65 = arith.constant 1 : i32
    %dma_wait3A_66 = tpu.memref_slice %arg4[%dma_wait3A_65] : memref<4x!tpu.dma_semaphore, #tpu.memory_space<semaphore_mem>> -> memref<1x!tpu.dma_semaphore, #tpu.memory_space<semaphore_mem>>
    %dma_wait3A_67 = tpu.memref_squeeze %dma_wait3A_66 : memref<1x!tpu.dma_semaphore, #tpu.memory_space<semaphore_mem>> -> memref<!tpu.dma_semaphore, #tpu.memory_space<semaphore_mem>>
    %dma_wait3A_68 = arith.constant 0 : i32
    %dma_wait3A_69 = arith.constant 0 : i32
    %dma_wait3A_70 = tpu.memref_slice %arg3[%dma_wait3A_64, %dma_wait3A_68, %dma_wait3A_69] : memref<4x2048x1024xf32, #tpu.memory_space<vmem>> -> memref<1x2048x1024xf32, #tpu.memory_space<vmem>>
    %dma_wait3A_71 = tpu.memref_squeeze %dma_wait3A_70 : memref<1x2048x1024xf32, #tpu.memory_space<vmem>> -> memref<2048x1024xf32, #tpu.memory_space<vmem>>
    %dma_wait3A_72 = arith.constant 2048 : i32
    %dma_wait3A_73 = arith.constant 0 : i32
    %dma_wait3A_74 = tpu.memref_slice %arg0[%dma_wait3A_72, %dma_wait3A_73] : memref<32768x1024xf32, #tpu.memory_space<any>> -> memref<2048x1024xf32, #tpu.memory_space<any>>
    tpu.wait_dma2 semaphore(%dma_wait3A_67 : memref<!tpu.dma_semaphore, #tpu.memory_space<semaphore_mem>>) src(%dma_wait3A_74 : memref<2048x1024xf32, #tpu.memory_space<any>>) dst(%dma_wait3A_71 : memref<2048x1024xf32, #tpu.memory_space<vmem>>)
    %dma_start3A_75 = arith.constant 1 : i32
    %dma_start3A_76 = arith.constant 1 : i32
    %dma_start3A_77 = tpu.memref_slice %arg5[%dma_start3A_76] : memref<4x!tpu.dma_semaphore, #tpu.memory_space<semaphore_mem>> -> memref<1x!tpu.dma_semaphore, #tpu.memory_space<semaphore_mem>>
    %dma_start3A_78 = tpu.memref_squeeze %dma_start3A_77 : memref<1x!tpu.dma_semaphore, #tpu.memory_space<semaphore_mem>> -> memref<!tpu.dma_semaphore, #tpu.memory_space<semaphore_mem>>
    %dma_start3A_79 = arith.constant 2048 : i32
    %dma_start3A_80 = arith.constant 0 : i32
    %dma_start3A_81 = tpu.memref_slice %arg2[%dma_start3A_79, %dma_start3A_80] : memref<32768x1024xf32, #tpu.memory_space<any>> -> memref<2048x1024xf32, #tpu.memory_space<any>>
    %dma_start3A_82 = arith.constant 0 : i32
    %dma_start3A_83 = arith.constant 0 : i32
    %dma_start3A_84 = tpu.memref_slice %arg3[%dma_start3A_75, %dma_start3A_82, %dma_start3A_83] : memref<4x2048x1024xf32, #tpu.memory_space<vmem>> -> memref<1x2048x1024xf32, #tpu.memory_space<vmem>>
    %dma_start3A_85 = tpu.memref_squeeze %dma_start3A_84 : memref<1x2048x1024xf32, #tpu.memory_space<vmem>> -> memref<2048x1024xf32, #tpu.memory_space<vmem>>
    tpu.enqueue_dma source(%dma_start3A_85 : memref<2048x1024xf32, #tpu.memory_space<vmem>>) target(%dma_start3A_81 : memref<2048x1024xf32, #tpu.memory_space<any>>) target_semaphore(%dma_start3A_78 : memref<!tpu.dma_semaphore, #tpu.memory_space<semaphore_mem>>)
    %dma_wait3A_86 = arith.constant 0 : i32
    %dma_wait3A_87 = arith.constant 0 : i32
    %dma_wait3A_88 = tpu.memref_slice %arg5[%dma_wait3A_87] : memref<4x!tpu.dma_semaphore, #tpu.memory_space<semaphore_mem>> -> memref<1x!tpu.dma_semaphore, #tpu.memory_space<semaphore_mem>>
    %dma_wait3A_89 = tpu.memref_squeeze %dma_wait3A_88 : memref<1x!tpu.dma_semaphore, #tpu.memory_space<semaphore_mem>> -> memref<!tpu.dma_semaphore, #tpu.memory_space<semaphore_mem>>
    %dma_wait3A_90 = arith.constant 0 : i32
    %dma_wait3A_91 = arith.constant 0 : i32
    %dma_wait3A_92 = tpu.memref_slice %arg2[%dma_wait3A_90, %dma_wait3A_91] : memref<32768x1024xf32, #tpu.memory_space<any>> -> memref<2048x1024xf32, #tpu.memory_space<any>>
    %dma_wait3A_93 = arith.constant 0 : i32
    %dma_wait3A_94 = arith.constant 0 : i32
    %dma_wait3A_95 = tpu.memref_slice %arg3[%dma_wait3A_86, %dma_wait3A_93, %dma_wait3A_94] : memref<4x2048x1024xf32, #tpu.memory_space<vmem>> -> memref<1x2048x1024xf32, #tpu.memory_space<vmem>>
    %dma_wait3A_96 = tpu.memref_squeeze %dma_wait3A_95 : memref<1x2048x1024xf32, #tpu.memory_space<vmem>> -> memref<2048x1024xf32, #tpu.memory_space<vmem>>
    tpu.wait_dma2 semaphore(%dma_wait3A_89 : memref<!tpu.dma_semaphore, #tpu.memory_space<semaphore_mem>>) src(%dma_wait3A_96 : memref<2048x1024xf32, #tpu.memory_space<vmem>>) dst(%dma_wait3A_92 : memref<2048x1024xf32, #tpu.memory_space<any>>)
    %dma_start3A_97 = arith.constant 0 : i32
    %dma_start3A_98 = arith.constant 0 : i32
    %dma_start3A_99 = tpu.memref_slice %arg4[%dma_start3A_98] : memref<4x!tpu.dma_semaphore, #tpu.memory_space<semaphore_mem>> -> memref<1x!tpu.dma_semaphore, #tpu.memory_space<semaphore_mem>>
    %dma_start3A_100 = tpu.memref_squeeze %dma_start3A_99 : memref<1x!tpu.dma_semaphore, #tpu.memory_space<semaphore_mem>> -> memref<!tpu.dma_semaphore, #tpu.memory_space<semaphore_mem>>
    %dma_start3A_101 = arith.constant 0 : i32
    %dma_start3A_102 = arith.constant 0 : i32
    %dma_start3A_103 = tpu.memref_slice %arg3[%dma_start3A_97, %dma_start3A_101, %dma_start3A_102] : memref<4x2048x1024xf32, #tpu.memory_space<vmem>> -> memref<1x2048x1024xf32, #tpu.memory_space<vmem>>
    %dma_start3A_104 = tpu.memref_squeeze %dma_start3A_103 : memref<1x2048x1024xf32, #tpu.memory_space<vmem>> -> memref<2048x1024xf32, #tpu.memory_space<vmem>>
    %dma_start3A_105 = arith.constant 8192 : i32
    %dma_start3A_106 = arith.constant 0 : i32
    %dma_start3A_107 = tpu.memref_slice %arg0[%dma_start3A_105, %dma_start3A_106] : memref<32768x1024xf32, #tpu.memory_space<any>> -> memref<2048x1024xf32, #tpu.memory_space<any>>
    tpu.enqueue_dma source(%dma_start3A_107 : memref<2048x1024xf32, #tpu.memory_space<any>>) target(%dma_start3A_104 : memref<2048x1024xf32, #tpu.memory_space<vmem>>) target_semaphore(%dma_start3A_100 : memref<!tpu.dma_semaphore, #tpu.memory_space<semaphore_mem>>)
    %dma_wait3A_108 = arith.constant 2 : i32
    %dma_wait3A_109 = arith.constant 2 : i32
    %dma_wait3A_110 = tpu.memref_slice %arg4[%dma_wait3A_109] : memref<4x!tpu.dma_semaphore, #tpu.memory_space<semaphore_mem>> -> memref<1x!tpu.dma_semaphore, #tpu.memory_space<semaphore_mem>>
    %dma_wait3A_111 = tpu.memref_squeeze %dma_wait3A_110 : memref<1x!tpu.dma_semaphore, #tpu.memory_space<semaphore_mem>> -> memref<!tpu.dma_semaphore, #tpu.memory_space<semaphore_mem>>
    %dma_wait3A_112 = arith.constant 0 : i32
    %dma_wait3A_113 = arith.constant 0 : i32
    %dma_wait3A_114 = tpu.memref_slice %arg3[%dma_wait3A_108, %dma_wait3A_112, %dma_wait3A_113] : memref<4x2048x1024xf32, #tpu.memory_space<vmem>> -> memref<1x2048x1024xf32, #tpu.memory_space<vmem>>
    %dma_wait3A_115 = tpu.memref_squeeze %dma_wait3A_114 : memref<1x2048x1024xf32, #tpu.memory_space<vmem>> -> memref<2048x1024xf32, #tpu.memory_space<vmem>>
    %dma_wait3A_116 = arith.constant 4096 : i32
    %dma_wait3A_117 = arith.constant 0 : i32
    %dma_wait3A_118 = tpu.memref_slice %arg0[%dma_wait3A_116, %dma_wait3A_117] : memref<32768x1024xf32, #tpu.memory_space<any>> -> memref<2048x1024xf32, #tpu.memory_space<any>>
    tpu.wait_dma2 semaphore(%dma_wait3A_111 : memref<!tpu.dma_semaphore, #tpu.memory_space<semaphore_mem>>) src(%dma_wait3A_118 : memref<2048x1024xf32, #tpu.memory_space<any>>) dst(%dma_wait3A_115 : memref<2048x1024xf32, #tpu.memory_space<vmem>>)
    %dma_start3A_119 = arith.constant 2 : i32
    %dma_start3A_120 = arith.constant 2 : i32
    %dma_start3A_121 = tpu.memref_slice %arg5[%dma_start3A_120] : memref<4x!tpu.dma_semaphore, #tpu.memory_space<semaphore_mem>> -> memref<1x!tpu.dma_semaphore, #tpu.memory_space<semaphore_mem>>
    %dma_start3A_122 = tpu.memref_squeeze %dma_start3A_121 : memref<1x!tpu.dma_semaphore, #tpu.memory_space<semaphore_mem>> -> memref<!tpu.dma_semaphore, #tpu.memory_space<semaphore_mem>>
    %dma_start3A_123 = arith.constant 4096 : i32
    %dma_start3A_124 = arith.constant 0 : i32
    %dma_start3A_125 = tpu.memref_slice %arg2[%dma_start3A_123, %dma_start3A_124] : memref<32768x1024xf32, #tpu.memory_space<any>> -> memref<2048x1024xf32, #tpu.memory_space<any>>
    %dma_start3A_126 = arith.constant 0 : i32
    %dma_start3A_127 = arith.constant 0 : i32
    %dma_start3A_128 = tpu.memref_slice %arg3[%dma_start3A_119, %dma_start3A_126, %dma_start3A_127] : memref<4x2048x1024xf32, #tpu.memory_space<vmem>> -> memref<1x2048x1024xf32, #tpu.memory_space<vmem>>
    %dma_start3A_129 = tpu.memref_squeeze %dma_start3A_128 : memref<1x2048x1024xf32, #tpu.memory_space<vmem>> -> memref<2048x1024xf32, #tpu.memory_space<vmem>>
    tpu.enqueue_dma source(%dma_start3A_129 : memref<2048x1024xf32, #tpu.memory_space<vmem>>) target(%dma_start3A_125 : memref<2048x1024xf32, #tpu.memory_space<any>>) target_semaphore(%dma_start3A_122 : memref<!tpu.dma_semaphore, #tpu.memory_space<semaphore_mem>>)
    %dma_wait3A_130 = arith.constant 1 : i32
    %dma_wait3A_131 = arith.constant 1 : i32
    %dma_wait3A_132 = tpu.memref_slice %arg5[%dma_wait3A_131] : memref<4x!tpu.dma_semaphore, #tpu.memory_space<semaphore_mem>> -> memref<1x!tpu.dma_semaphore, #tpu.memory_space<semaphore_mem>>
    %dma_wait3A_133 = tpu.memref_squeeze %dma_wait3A_132 : memref<1x!tpu.dma_semaphore, #tpu.memory_space<semaphore_mem>> -> memref<!tpu.dma_semaphore, #tpu.memory_space<semaphore_mem>>
    %dma_wait3A_134 = arith.constant 2048 : i32
    %dma_wait3A_135 = arith.constant 0 : i32
    %dma_wait3A_136 = tpu.memref_slice %arg2[%dma_wait3A_134, %dma_wait3A_135] : memref<32768x1024xf32, #tpu.memory_space<any>> -> memref<2048x1024xf32, #tpu.memory_space<any>>
    %dma_wait3A_137 = arith.constant 0 : i32
    %dma_wait3A_138 = arith.constant 0 : i32
    %dma_wait3A_139 = tpu.memref_slice %arg3[%dma_wait3A_130, %dma_wait3A_137, %dma_wait3A_138] : memref<4x2048x1024xf32, #tpu.memory_space<vmem>> -> memref<1x2048x1024xf32, #tpu.memory_space<vmem>>
    %dma_wait3A_140 = tpu.memref_squeeze %dma_wait3A_139 : memref<1x2048x1024xf32, #tpu.memory_space<vmem>> -> memref<2048x1024xf32, #tpu.memory_space<vmem>>
    tpu.wait_dma2 semaphore(%dma_wait3A_133 : memref<!tpu.dma_semaphore, #tpu.memory_space<semaphore_mem>>) src(%dma_wait3A_140 : memref<2048x1024xf32, #tpu.memory_space<vmem>>) dst(%dma_wait3A_136 : memref<2048x1024xf32, #tpu.memory_space<any>>)
    %dma_start3A_141 = arith.constant 1 : i32
    %dma_start3A_142 = arith.constant 1 : i32
    %dma_start3A_143 = tpu.memref_slice %arg4[%dma_start3A_142] : memref<4x!tpu.dma_semaphore, #tpu.memory_space<semaphore_mem>> -> memref<1x!tpu.dma_semaphore, #tpu.memory_space<semaphore_mem>>
    %dma_start3A_144 = tpu.memref_squeeze %dma_start3A_143 : memref<1x!tpu.dma_semaphore, #tpu.memory_space<semaphore_mem>> -> memref<!tpu.dma_semaphore, #tpu.memory_space<semaphore_mem>>
    %dma_start3A_145 = arith.constant 0 : i32
    %dma_start3A_146 = arith.constant 0 : i32
    %dma_start3A_147 = tpu.memref_slice %arg3[%dma_start3A_141, %dma_start3A_145, %dma_start3A_146] : memref<4x2048x1024xf32, #tpu.memory_space<vmem>> -> memref<1x2048x1024xf32, #tpu.memory_space<vmem>>
    %dma_start3A_148 = tpu.memref_squeeze %dma_start3A_147 : memref<1x2048x1024xf32, #tpu.memory_space<vmem>> -> memref<2048x1024xf32, #tpu.memory_space<vmem>>
    %dma_start3A_149 = arith.constant 10240 : i32
    %dma_start3A_150 = arith.constant 0 : i32
    %dma_start3A_151 = tpu.memref_slice %arg0[%dma_start3A_149, %dma_start3A_150] : memref<32768x1024xf32, #tpu.memory_space<any>> -> memref<2048x1024xf32, #tpu.memory_space<any>>
    tpu.enqueue_dma source(%dma_start3A_151 : memref<2048x1024xf32, #tpu.memory_space<any>>) target(%dma_start3A_148 : memref<2048x1024xf32, #tpu.memory_space<vmem>>) target_semaphore(%dma_start3A_144 : memref<!tpu.dma_semaphore, #tpu.memory_space<semaphore_mem>>)
    %dma_wait3A_152 = arith.constant 3 : i32
    %dma_wait3A_153 = arith.constant 3 : i32
    %dma_wait3A_154 = tpu.memref_slice %arg4[%dma_wait3A_153] : memref<4x!tpu.dma_semaphore, #tpu.memory_space<semaphore_mem>> -> memref<1x!tpu.dma_semaphore, #tpu.memory_space<semaphore_mem>>
    %dma_wait3A_155 = tpu.memref_squeeze %dma_wait3A_154 : memref<1x!tpu.dma_semaphore, #tpu.memory_space<semaphore_mem>> -> memref<!tpu.dma_semaphore, #tpu.memory_space<semaphore_mem>>
    %dma_wait3A_156 = arith.constant 0 : i32
    %dma_wait3A_157 = arith.constant 0 : i32
    %dma_wait3A_158 = tpu.memref_slice %arg3[%dma_wait3A_152, %dma_wait3A_156, %dma_wait3A_157] : memref<4x2048x1024xf32, #tpu.memory_space<vmem>> -> memref<1x2048x1024xf32, #tpu.memory_space<vmem>>
    %dma_wait3A_159 = tpu.memref_squeeze %dma_wait3A_158 : memref<1x2048x1024xf32, #tpu.memory_space<vmem>> -> memref<2048x1024xf32, #tpu.memory_space<vmem>>
    %dma_wait3A_160 = arith.constant 6144 : i32
    %dma_wait3A_161 = arith.constant 0 : i32
    %dma_wait3A_162 = tpu.memref_slice %arg0[%dma_wait3A_160, %dma_wait3A_161] : memref<32768x1024xf32, #tpu.memory_space<any>> -> memref<2048x1024xf32, #tpu.memory_space<any>>
    tpu.wait_dma2 semaphore(%dma_wait3A_155 : memref<!tpu.dma_semaphore, #tpu.memory_space<semaphore_mem>>) src(%dma_wait3A_162 : memref<2048x1024xf32, #tpu.memory_space<any>>) dst(%dma_wait3A_159 : memref<2048x1024xf32, #tpu.memory_space<vmem>>)
    %dma_start3A_163 = arith.constant 3 : i32
    %dma_start3A_164 = arith.constant 3 : i32
    %dma_start3A_165 = tpu.memref_slice %arg5[%dma_start3A_164] : memref<4x!tpu.dma_semaphore, #tpu.memory_space<semaphore_mem>> -> memref<1x!tpu.dma_semaphore, #tpu.memory_space<semaphore_mem>>
    %dma_start3A_166 = tpu.memref_squeeze %dma_start3A_165 : memref<1x!tpu.dma_semaphore, #tpu.memory_space<semaphore_mem>> -> memref<!tpu.dma_semaphore, #tpu.memory_space<semaphore_mem>>
    %dma_start3A_167 = arith.constant 6144 : i32
    %dma_start3A_168 = arith.constant 0 : i32
    %dma_start3A_169 = tpu.memref_slice %arg2[%dma_start3A_167, %dma_start3A_168] : memref<32768x1024xf32, #tpu.memory_space<any>> -> memref<2048x1024xf32, #tpu.memory_space<any>>
    %dma_start3A_170 = arith.constant 0 : i32
    %dma_start3A_171 = arith.constant 0 : i32
    %dma_start3A_172 = tpu.memref_slice %arg3[%dma_start3A_163, %dma_start3A_170, %dma_start3A_171] : memref<4x2048x1024xf32, #tpu.memory_space<vmem>> -> memref<1x2048x1024xf32, #tpu.memory_space<vmem>>
    %dma_start3A_173 = tpu.memref_squeeze %dma_start3A_172 : memref<1x2048x1024xf32, #tpu.memory_space<vmem>> -> memref<2048x1024xf32, #tpu.memory_space<vmem>>
    tpu.enqueue_dma source(%dma_start3A_173 : memref<2048x1024xf32, #tpu.memory_space<vmem>>) target(%dma_start3A_169 : memref<2048x1024xf32, #tpu.memory_space<any>>) target_semaphore(%dma_start3A_166 : memref<!tpu.dma_semaphore, #tpu.memory_space<semaphore_mem>>)
    %dma_wait3A_174 = arith.constant 2 : i32
    %dma_wait3A_175 = arith.constant 2 : i32
    %dma_wait3A_176 = tpu.memref_slice %arg5[%dma_wait3A_175] : memref<4x!tpu.dma_semaphore, #tpu.memory_space<semaphore_mem>> -> memref<1x!tpu.dma_semaphore, #tpu.memory_space<semaphore_mem>>
    %dma_wait3A_177 = tpu.memref_squeeze %dma_wait3A_176 : memref<1x!tpu.dma_semaphore, #tpu.memory_space<semaphore_mem>> -> memref<!tpu.dma_semaphore, #tpu.memory_space<semaphore_mem>>
    %dma_wait3A_178 = arith.constant 4096 : i32
    %dma_wait3A_179 = arith.constant 0 : i32
    %dma_wait3A_180 = tpu.memref_slice %arg2[%dma_wait3A_178, %dma_wait3A_179] : memref<32768x1024xf32, #tpu.memory_space<any>> -> memref<2048x1024xf32, #tpu.memory_space<any>>
    %dma_wait3A_181 = arith.constant 0 : i32
    %dma_wait3A_182 = arith.constant 0 : i32
    %dma_wait3A_183 = tpu.memref_slice %arg3[%dma_wait3A_174, %dma_wait3A_181, %dma_wait3A_182] : memref<4x2048x1024xf32, #tpu.memory_space<vmem>> -> memref<1x2048x1024xf32, #tpu.memory_space<vmem>>
    %dma_wait3A_184 = tpu.memref_squeeze %dma_wait3A_183 : memref<1x2048x1024xf32, #tpu.memory_space<vmem>> -> memref<2048x1024xf32, #tpu.memory_space<vmem>>
    tpu.wait_dma2 semaphore(%dma_wait3A_177 : memref<!tpu.dma_semaphore, #tpu.memory_space<semaphore_mem>>) src(%dma_wait3A_184 : memref<2048x1024xf32, #tpu.memory_space<vmem>>) dst(%dma_wait3A_180 : memref<2048x1024xf32, #tpu.memory_space<any>>)
    %dma_start3A_185 = arith.constant 2 : i32
    %dma_start3A_186 = arith.constant 2 : i32
    %dma_start3A_187 = tpu.memref_slice %arg4[%dma_start3A_186] : memref<4x!tpu.dma_semaphore, #tpu.memory_space<semaphore_mem>> -> memref<1x!tpu.dma_semaphore, #tpu.memory_space<semaphore_mem>>
    %dma_start3A_188 = tpu.memref_squeeze %dma_start3A_187 : memref<1x!tpu.dma_semaphore, #tpu.memory_space<semaphore_mem>> -> memref<!tpu.dma_semaphore, #tpu.memory_space<semaphore_mem>>
    %dma_start3A_189 = arith.constant 0 : i32
    %dma_start3A_190 = arith.constant 0 : i32
    %dma_start3A_191 = tpu.memref_slice %arg3[%dma_start3A_185, %dma_start3A_189, %dma_start3A_190] : memref<4x2048x1024xf32, #tpu.memory_space<vmem>> -> memref<1x2048x1024xf32, #tpu.memory_space<vmem>>
    %dma_start3A_192 = tpu.memref_squeeze %dma_start3A_191 : memref<1x2048x1024xf32, #tpu.memory_space<vmem>> -> memref<2048x1024xf32, #tpu.memory_space<vmem>>
    %dma_start3A_193 = arith.constant 12288 : i32
    %dma_start3A_194 = arith.constant 0 : i32
    %dma_start3A_195 = tpu.memref_slice %arg0[%dma_start3A_193, %dma_start3A_194] : memref<32768x1024xf32, #tpu.memory_space<any>> -> memref<2048x1024xf32, #tpu.memory_space<any>>
    tpu.enqueue_dma source(%dma_start3A_195 : memref<2048x1024xf32, #tpu.memory_space<any>>) target(%dma_start3A_192 : memref<2048x1024xf32, #tpu.memory_space<vmem>>) target_semaphore(%dma_start3A_188 : memref<!tpu.dma_semaphore, #tpu.memory_space<semaphore_mem>>)
    %dma_wait3A_196 = arith.constant 0 : i32
    %dma_wait3A_197 = arith.constant 0 : i32
    %dma_wait3A_198 = tpu.memref_slice %arg4[%dma_wait3A_197] : memref<4x!tpu.dma_semaphore, #tpu.memory_space<semaphore_mem>> -> memref<1x!tpu.dma_semaphore, #tpu.memory_space<semaphore_mem>>
    %dma_wait3A_199 = tpu.memref_squeeze %dma_wait3A_198 : memref<1x!tpu.dma_semaphore, #tpu.memory_space<semaphore_mem>> -> memref<!tpu.dma_semaphore, #tpu.memory_space<semaphore_mem>>
    %dma_wait3A_200 = arith.constant 0 : i32
    %dma_wait3A_201 = arith.constant 0 : i32
    %dma_wait3A_202 = tpu.memref_slice %arg3[%dma_wait3A_196, %dma_wait3A_200, %dma_wait3A_201] : memref<4x2048x1024xf32, #tpu.memory_space<vmem>> -> memref<1x2048x1024xf32, #tpu.memory_space<vmem>>
    %dma_wait3A_203 = tpu.memref_squeeze %dma_wait3A_202 : memref<1x2048x1024xf32, #tpu.memory_space<vmem>> -> memref<2048x1024xf32, #tpu.memory_space<vmem>>
    %dma_wait3A_204 = arith.constant 8192 : i32
    %dma_wait3A_205 = arith.constant 0 : i32
    %dma_wait3A_206 = tpu.memref_slice %arg0[%dma_wait3A_204, %dma_wait3A_205] : memref<32768x1024xf32, #tpu.memory_space<any>> -> memref<2048x1024xf32, #tpu.memory_space<any>>
    tpu.wait_dma2 semaphore(%dma_wait3A_199 : memref<!tpu.dma_semaphore, #tpu.memory_space<semaphore_mem>>) src(%dma_wait3A_206 : memref<2048x1024xf32, #tpu.memory_space<any>>) dst(%dma_wait3A_203 : memref<2048x1024xf32, #tpu.memory_space<vmem>>)
    %dma_start3A_207 = arith.constant 0 : i32
    %dma_start3A_208 = arith.constant 0 : i32
    %dma_start3A_209 = tpu.memref_slice %arg5[%dma_start3A_208] : memref<4x!tpu.dma_semaphore, #tpu.memory_space<semaphore_mem>> -> memref<1x!tpu.dma_semaphore, #tpu.memory_space<semaphore_mem>>
    %dma_start3A_210 = tpu.memref_squeeze %dma_start3A_209 : memref<1x!tpu.dma_semaphore, #tpu.memory_space<semaphore_mem>> -> memref<!tpu.dma_semaphore, #tpu.memory_space<semaphore_mem>>
    %dma_start3A_211 = arith.constant 8192 : i32
    %dma_start3A_212 = arith.constant 0 : i32
    %dma_start3A_213 = tpu.memref_slice %arg2[%dma_start3A_211, %dma_start3A_212] : memref<32768x1024xf32, #tpu.memory_space<any>> -> memref<2048x1024xf32, #tpu.memory_space<any>>
    %dma_start3A_214 = arith.constant 0 : i32
    %dma_start3A_215 = arith.constant 0 : i32
    %dma_start3A_216 = tpu.memref_slice %arg3[%dma_start3A_207, %dma_start3A_214, %dma_start3A_215] : memref<4x2048x1024xf32, #tpu.memory_space<vmem>> -> memref<1x2048x1024xf32, #tpu.memory_space<vmem>>
    %dma_start3A_217 = tpu.memref_squeeze %dma_start3A_216 : memref<1x2048x1024xf32, #tpu.memory_space<vmem>> -> memref<2048x1024xf32, #tpu.memory_space<vmem>>
    tpu.enqueue_dma source(%dma_start3A_217 : memref<2048x1024xf32, #tpu.memory_space<vmem>>) target(%dma_start3A_213 : memref<2048x1024xf32, #tpu.memory_space<any>>) target_semaphore(%dma_start3A_210 : memref<!tpu.dma_semaphore, #tpu.memory_space<semaphore_mem>>)
    %dma_wait3A_218 = arith.constant 3 : i32
    %dma_wait3A_219 = arith.constant 3 : i32
    %dma_wait3A_220 = tpu.memref_slice %arg5[%dma_wait3A_219] : memref<4x!tpu.dma_semaphore, #tpu.memory_space<semaphore_mem>> -> memref<1x!tpu.dma_semaphore, #tpu.memory_space<semaphore_mem>>
    %dma_wait3A_221 = tpu.memref_squeeze %dma_wait3A_220 : memref<1x!tpu.dma_semaphore, #tpu.memory_space<semaphore_mem>> -> memref<!tpu.dma_semaphore, #tpu.memory_space<semaphore_mem>>
    %dma_wait3A_222 = arith.constant 6144 : i32
    %dma_wait3A_223 = arith.constant 0 : i32
    %dma_wait3A_224 = tpu.memref_slice %arg2[%dma_wait3A_222, %dma_wait3A_223] : memref<32768x1024xf32, #tpu.memory_space<any>> -> memref<2048x1024xf32, #tpu.memory_space<any>>
    %dma_wait3A_225 = arith.constant 0 : i32
    %dma_wait3A_226 = arith.constant 0 : i32
    %dma_wait3A_227 = tpu.memref_slice %arg3[%dma_wait3A_218, %dma_wait3A_225, %dma_wait3A_226] : memref<4x2048x1024xf32, #tpu.memory_space<vmem>> -> memref<1x2048x1024xf32, #tpu.memory_space<vmem>>
    %dma_wait3A_228 = tpu.memref_squeeze %dma_wait3A_227 : memref<1x2048x1024xf32, #tpu.memory_space<vmem>> -> memref<2048x1024xf32, #tpu.memory_space<vmem>>
    tpu.wait_dma2 semaphore(%dma_wait3A_221 : memref<!tpu.dma_semaphore, #tpu.memory_space<semaphore_mem>>) src(%dma_wait3A_228 : memref<2048x1024xf32, #tpu.memory_space<vmem>>) dst(%dma_wait3A_224 : memref<2048x1024xf32, #tpu.memory_space<any>>)
    %dma_start3A_229 = arith.constant 3 : i32
    %dma_start3A_230 = arith.constant 3 : i32
    %dma_start3A_231 = tpu.memref_slice %arg4[%dma_start3A_230] : memref<4x!tpu.dma_semaphore, #tpu.memory_space<semaphore_mem>> -> memref<1x!tpu.dma_semaphore, #tpu.memory_space<semaphore_mem>>
    %dma_start3A_232 = tpu.memref_squeeze %dma_start3A_231 : memref<1x!tpu.dma_semaphore, #tpu.memory_space<semaphore_mem>> -> memref<!tpu.dma_semaphore, #tpu.memory_space<semaphore_mem>>
    %dma_start3A_233 = arith.constant 0 : i32
    %dma_start3A_234 = arith.constant 0 : i32
    %dma_start3A_235 = tpu.memref_slice %arg3[%dma_start3A_229, %dma_start3A_233, %dma_start3A_234] : memref<4x2048x1024xf32, #tpu.memory_space<vmem>> -> memref<1x2048x1024xf32, #tpu.memory_space<vmem>>
    %dma_start3A_236 = tpu.memref_squeeze %dma_start3A_235 : memref<1x2048x1024xf32, #tpu.memory_space<vmem>> -> memref<2048x1024xf32, #tpu.memory_space<vmem>>
    %dma_start3A_237 = arith.constant 14336 : i32
    %dma_start3A_238 = arith.constant 0 : i32
    %dma_start3A_239 = tpu.memref_slice %arg0[%dma_start3A_237, %dma_start3A_238] : memref<32768x1024xf32, #tpu.memory_space<any>> -> memref<2048x1024xf32, #tpu.memory_space<any>>
    tpu.enqueue_dma source(%dma_start3A_239 : memref<2048x1024xf32, #tpu.memory_space<any>>) target(%dma_start3A_236 : memref<2048x1024xf32, #tpu.memory_space<vmem>>) target_semaphore(%dma_start3A_232 : memref<!tpu.dma_semaphore, #tpu.memory_space<semaphore_mem>>)
    %dma_wait3A_240 = arith.constant 1 : i32
    %dma_wait3A_241 = arith.constant 1 : i32
    %dma_wait3A_242 = tpu.memref_slice %arg4[%dma_wait3A_241] : memref<4x!tpu.dma_semaphore, #tpu.memory_space<semaphore_mem>> -> memref<1x!tpu.dma_semaphore, #tpu.memory_space<semaphore_mem>>
    %dma_wait3A_243 = tpu.memref_squeeze %dma_wait3A_242 : memref<1x!tpu.dma_semaphore, #tpu.memory_space<semaphore_mem>> -> memref<!tpu.dma_semaphore, #tpu.memory_space<semaphore_mem>>
    %dma_wait3A_244 = arith.constant 0 : i32
    %dma_wait3A_245 = arith.constant 0 : i32
    %dma_wait3A_246 = tpu.memref_slice %arg3[%dma_wait3A_240, %dma_wait3A_244, %dma_wait3A_245] : memref<4x2048x1024xf32, #tpu.memory_space<vmem>> -> memref<1x2048x1024xf32, #tpu.memory_space<vmem>>
    %dma_wait3A_247 = tpu.memref_squeeze %dma_wait3A_246 : memref<1x2048x1024xf32, #tpu.memory_space<vmem>> -> memref<2048x1024xf32, #tpu.memory_space<vmem>>
    %dma_wait3A_248 = arith.constant 10240 : i32
    %dma_wait3A_249 = arith.constant 0 : i32
    %dma_wait3A_250 = tpu.memref_slice %arg0[%dma_wait3A_248, %dma_wait3A_249] : memref<32768x1024xf32, #tpu.memory_space<any>> -> memref<2048x1024xf32, #tpu.memory_space<any>>
    tpu.wait_dma2 semaphore(%dma_wait3A_243 : memref<!tpu.dma_semaphore, #tpu.memory_space<semaphore_mem>>) src(%dma_wait3A_250 : memref<2048x1024xf32, #tpu.memory_space<any>>) dst(%dma_wait3A_247 : memref<2048x1024xf32, #tpu.memory_space<vmem>>)
    %dma_start3A_251 = arith.constant 1 : i32
    %dma_start3A_252 = arith.constant 1 : i32
    %dma_start3A_253 = tpu.memref_slice %arg5[%dma_start3A_252] : memref<4x!tpu.dma_semaphore, #tpu.memory_space<semaphore_mem>> -> memref<1x!tpu.dma_semaphore, #tpu.memory_space<semaphore_mem>>
    %dma_start3A_254 = tpu.memref_squeeze %dma_start3A_253 : memref<1x!tpu.dma_semaphore, #tpu.memory_space<semaphore_mem>> -> memref<!tpu.dma_semaphore, #tpu.memory_space<semaphore_mem>>
    %dma_start3A_255 = arith.constant 10240 : i32
    %dma_start3A_256 = arith.constant 0 : i32
    %dma_start3A_257 = tpu.memref_slice %arg2[%dma_start3A_255, %dma_start3A_256] : memref<32768x1024xf32, #tpu.memory_space<any>> -> memref<2048x1024xf32, #tpu.memory_space<any>>
    %dma_start3A_258 = arith.constant 0 : i32
    %dma_start3A_259 = arith.constant 0 : i32
    %dma_start3A_260 = tpu.memref_slice %arg3[%dma_start3A_251, %dma_start3A_258, %dma_start3A_259] : memref<4x2048x1024xf32, #tpu.memory_space<vmem>> -> memref<1x2048x1024xf32, #tpu.memory_space<vmem>>
    %dma_start3A_261 = tpu.memref_squeeze %dma_start3A_260 : memref<1x2048x1024xf32, #tpu.memory_space<vmem>> -> memref<2048x1024xf32, #tpu.memory_space<vmem>>
    tpu.enqueue_dma source(%dma_start3A_261 : memref<2048x1024xf32, #tpu.memory_space<vmem>>) target(%dma_start3A_257 : memref<2048x1024xf32, #tpu.memory_space<any>>) target_semaphore(%dma_start3A_254 : memref<!tpu.dma_semaphore, #tpu.memory_space<semaphore_mem>>)
    %dma_wait3A_262 = arith.constant 0 : i32
    %dma_wait3A_263 = arith.constant 0 : i32
    %dma_wait3A_264 = tpu.memref_slice %arg5[%dma_wait3A_263] : memref<4x!tpu.dma_semaphore, #tpu.memory_space<semaphore_mem>> -> memref<1x!tpu.dma_semaphore, #tpu.memory_space<semaphore_mem>>
    %dma_wait3A_265 = tpu.memref_squeeze %dma_wait3A_264 : memref<1x!tpu.dma_semaphore, #tpu.memory_space<semaphore_mem>> -> memref<!tpu.dma_semaphore, #tpu.memory_space<semaphore_mem>>
    %dma_wait3A_266 = arith.constant 8192 : i32
    %dma_wait3A_267 = arith.constant 0 : i32
    %dma_wait3A_268 = tpu.memref_slice %arg2[%dma_wait3A_266, %dma_wait3A_267] : memref<32768x1024xf32, #tpu.memory_space<any>> -> memref<2048x1024xf32, #tpu.memory_space<any>>
    %dma_wait3A_269 = arith.constant 0 : i32
    %dma_wait3A_270 = arith.constant 0 : i32
    %dma_wait3A_271 = tpu.memref_slice %arg3[%dma_wait3A_262, %dma_wait3A_269, %dma_wait3A_270] : memref<4x2048x1024xf32, #tpu.memory_space<vmem>> -> memref<1x2048x1024xf32, #tpu.memory_space<vmem>>
    %dma_wait3A_272 = tpu.memref_squeeze %dma_wait3A_271 : memref<1x2048x1024xf32, #tpu.memory_space<vmem>> -> memref<2048x1024xf32, #tpu.memory_space<vmem>>
    tpu.wait_dma2 semaphore(%dma_wait3A_265 : memref<!tpu.dma_semaphore, #tpu.memory_space<semaphore_mem>>) src(%dma_wait3A_272 : memref<2048x1024xf32, #tpu.memory_space<vmem>>) dst(%dma_wait3A_268 : memref<2048x1024xf32, #tpu.memory_space<any>>)
    %dma_start3A_273 = arith.constant 0 : i32
    %dma_start3A_274 = arith.constant 0 : i32
    %dma_start3A_275 = tpu.memref_slice %arg4[%dma_start3A_274] : memref<4x!tpu.dma_semaphore, #tpu.memory_space<semaphore_mem>> -> memref<1x!tpu.dma_semaphore, #tpu.memory_space<semaphore_mem>>
    %dma_start3A_276 = tpu.memref_squeeze %dma_start3A_275 : memref<1x!tpu.dma_semaphore, #tpu.memory_space<semaphore_mem>> -> memref<!tpu.dma_semaphore, #tpu.memory_space<semaphore_mem>>
    %dma_start3A_277 = arith.constant 0 : i32
    %dma_start3A_278 = arith.constant 0 : i32
    %dma_start3A_279 = tpu.memref_slice %arg3[%dma_start3A_273, %dma_start3A_277, %dma_start3A_278] : memref<4x2048x1024xf32, #tpu.memory_space<vmem>> -> memref<1x2048x1024xf32, #tpu.memory_space<vmem>>
    %dma_start3A_280 = tpu.memref_squeeze %dma_start3A_279 : memref<1x2048x1024xf32, #tpu.memory_space<vmem>> -> memref<2048x1024xf32, #tpu.memory_space<vmem>>
    %dma_start3A_281 = arith.constant 16384 : i32
    %dma_start3A_282 = arith.constant 0 : i32
    %dma_start3A_283 = tpu.memref_slice %arg0[%dma_start3A_281, %dma_start3A_282] : memref<32768x1024xf32, #tpu.memory_space<any>> -> memref<2048x1024xf32, #tpu.memory_space<any>>
    tpu.enqueue_dma source(%dma_start3A_283 : memref<2048x1024xf32, #tpu.memory_space<any>>) target(%dma_start3A_280 : memref<2048x1024xf32, #tpu.memory_space<vmem>>) target_semaphore(%dma_start3A_276 : memref<!tpu.dma_semaphore, #tpu.memory_space<semaphore_mem>>)
    %dma_wait3A_284 = arith.constant 2 : i32
    %dma_wait3A_285 = arith.constant 2 : i32
    %dma_wait3A_286 = tpu.memref_slice %arg4[%dma_wait3A_285] : memref<4x!tpu.dma_semaphore, #tpu.memory_space<semaphore_mem>> -> memref<1x!tpu.dma_semaphore, #tpu.memory_space<semaphore_mem>>
    %dma_wait3A_287 = tpu.memref_squeeze %dma_wait3A_286 : memref<1x!tpu.dma_semaphore, #tpu.memory_space<semaphore_mem>> -> memref<!tpu.dma_semaphore, #tpu.memory_space<semaphore_mem>>
    %dma_wait3A_288 = arith.constant 0 : i32
    %dma_wait3A_289 = arith.constant 0 : i32
    %dma_wait3A_290 = tpu.memref_slice %arg3[%dma_wait3A_284, %dma_wait3A_288, %dma_wait3A_289] : memref<4x2048x1024xf32, #tpu.memory_space<vmem>> -> memref<1x2048x1024xf32, #tpu.memory_space<vmem>>
    %dma_wait3A_291 = tpu.memref_squeeze %dma_wait3A_290 : memref<1x2048x1024xf32, #tpu.memory_space<vmem>> -> memref<2048x1024xf32, #tpu.memory_space<vmem>>
    %dma_wait3A_292 = arith.constant 12288 : i32
    %dma_wait3A_293 = arith.constant 0 : i32
    %dma_wait3A_294 = tpu.memref_slice %arg0[%dma_wait3A_292, %dma_wait3A_293] : memref<32768x1024xf32, #tpu.memory_space<any>> -> memref<2048x1024xf32, #tpu.memory_space<any>>
    tpu.wait_dma2 semaphore(%dma_wait3A_287 : memref<!tpu.dma_semaphore, #tpu.memory_space<semaphore_mem>>) src(%dma_wait3A_294 : memref<2048x1024xf32, #tpu.memory_space<any>>) dst(%dma_wait3A_291 : memref<2048x1024xf32, #tpu.memory_space<vmem>>)
    %dma_start3A_295 = arith.constant 2 : i32
    %dma_start3A_296 = arith.constant 2 : i32
    %dma_start3A_297 = tpu.memref_slice %arg5[%dma_start3A_296] : memref<4x!tpu.dma_semaphore, #tpu.memory_space<semaphore_mem>> -> memref<1x!tpu.dma_semaphore, #tpu.memory_space<semaphore_mem>>
    %dma_start3A_298 = tpu.memref_squeeze %dma_start3A_297 : memref<1x!tpu.dma_semaphore, #tpu.memory_space<semaphore_mem>> -> memref<!tpu.dma_semaphore, #tpu.memory_space<semaphore_mem>>
    %dma_start3A_299 = arith.constant 12288 : i32
    %dma_start3A_300 = arith.constant 0 : i32
    %dma_start3A_301 = tpu.memref_slice %arg2[%dma_start3A_299, %dma_start3A_300] : memref<32768x1024xf32, #tpu.memory_space<any>> -> memref<2048x1024xf32, #tpu.memory_space<any>>
    %dma_start3A_302 = arith.constant 0 : i32
    %dma_start3A_303 = arith.constant 0 : i32
    %dma_start3A_304 = tpu.memref_slice %arg3[%dma_start3A_295, %dma_start3A_302, %dma_start3A_303] : memref<4x2048x1024xf32, #tpu.memory_space<vmem>> -> memref<1x2048x1024xf32, #tpu.memory_space<vmem>>
    %dma_start3A_305 = tpu.memref_squeeze %dma_start3A_304 : memref<1x2048x1024xf32, #tpu.memory_space<vmem>> -> memref<2048x1024xf32, #tpu.memory_space<vmem>>
    tpu.enqueue_dma source(%dma_start3A_305 : memref<2048x1024xf32, #tpu.memory_space<vmem>>) target(%dma_start3A_301 : memref<2048x1024xf32, #tpu.memory_space<any>>) target_semaphore(%dma_start3A_298 : memref<!tpu.dma_semaphore, #tpu.memory_space<semaphore_mem>>)
    %dma_wait3A_306 = arith.constant 1 : i32
    %dma_wait3A_307 = arith.constant 1 : i32
    %dma_wait3A_308 = tpu.memref_slice %arg5[%dma_wait3A_307] : memref<4x!tpu.dma_semaphore, #tpu.memory_space<semaphore_mem>> -> memref<1x!tpu.dma_semaphore, #tpu.memory_space<semaphore_mem>>
    %dma_wait3A_309 = tpu.memref_squeeze %dma_wait3A_308 : memref<1x!tpu.dma_semaphore, #tpu.memory_space<semaphore_mem>> -> memref<!tpu.dma_semaphore, #tpu.memory_space<semaphore_mem>>
    %dma_wait3A_310 = arith.constant 10240 : i32
    %dma_wait3A_311 = arith.constant 0 : i32
    %dma_wait3A_312 = tpu.memref_slice %arg2[%dma_wait3A_310, %dma_wait3A_311] : memref<32768x1024xf32, #tpu.memory_space<any>> -> memref<2048x1024xf32, #tpu.memory_space<any>>
    %dma_wait3A_313 = arith.constant 0 : i32
    %dma_wait3A_314 = arith.constant 0 : i32
    %dma_wait3A_315 = tpu.memref_slice %arg3[%dma_wait3A_306, %dma_wait3A_313, %dma_wait3A_314] : memref<4x2048x1024xf32, #tpu.memory_space<vmem>> -> memref<1x2048x1024xf32, #tpu.memory_space<vmem>>
    %dma_wait3A_316 = tpu.memref_squeeze %dma_wait3A_315 : memref<1x2048x1024xf32, #tpu.memory_space<vmem>> -> memref<2048x1024xf32, #tpu.memory_space<vmem>>
    tpu.wait_dma2 semaphore(%dma_wait3A_309 : memref<!tpu.dma_semaphore, #tpu.memory_space<semaphore_mem>>) src(%dma_wait3A_316 : memref<2048x1024xf32, #tpu.memory_space<vmem>>) dst(%dma_wait3A_312 : memref<2048x1024xf32, #tpu.memory_space<any>>)
    %dma_start3A_317 = arith.constant 1 : i32
    %dma_start3A_318 = arith.constant 1 : i32
    %dma_start3A_319 = tpu.memref_slice %arg4[%dma_start3A_318] : memref<4x!tpu.dma_semaphore, #tpu.memory_space<semaphore_mem>> -> memref<1x!tpu.dma_semaphore, #tpu.memory_space<semaphore_mem>>
    %dma_start3A_320 = tpu.memref_squeeze %dma_start3A_319 : memref<1x!tpu.dma_semaphore, #tpu.memory_space<semaphore_mem>> -> memref<!tpu.dma_semaphore, #tpu.memory_space<semaphore_mem>>
    %dma_start3A_321 = arith.constant 0 : i32
    %dma_start3A_322 = arith.constant 0 : i32
    %dma_start3A_323 = tpu.memref_slice %arg3[%dma_start3A_317, %dma_start3A_321, %dma_start3A_322] : memref<4x2048x1024xf32, #tpu.memory_space<vmem>> -> memref<1x2048x1024xf32, #tpu.memory_space<vmem>>
    %dma_start3A_324 = tpu.memref_squeeze %dma_start3A_323 : memref<1x2048x1024xf32, #tpu.memory_space<vmem>> -> memref<2048x1024xf32, #tpu.memory_space<vmem>>
    %dma_start3A_325 = arith.constant 18432 : i32
    %dma_start3A_326 = arith.constant 0 : i32
    %dma_start3A_327 = tpu.memref_slice %arg0[%dma_start3A_325, %dma_start3A_326] : memref<32768x1024xf32, #tpu.memory_space<any>> -> memref<2048x1024xf32, #tpu.memory_space<any>>
    tpu.enqueue_dma source(%dma_start3A_327 : memref<2048x1024xf32, #tpu.memory_space<any>>) target(%dma_start3A_324 : memref<2048x1024xf32, #tpu.memory_space<vmem>>) target_semaphore(%dma_start3A_320 : memref<!tpu.dma_semaphore, #tpu.memory_space<semaphore_mem>>)
    %dma_wait3A_328 = arith.constant 3 : i32
    %dma_wait3A_329 = arith.constant 3 : i32
    %dma_wait3A_330 = tpu.memref_slice %arg4[%dma_wait3A_329] : memref<4x!tpu.dma_semaphore, #tpu.memory_space<semaphore_mem>> -> memref<1x!tpu.dma_semaphore, #tpu.memory_space<semaphore_mem>>
    %dma_wait3A_331 = tpu.memref_squeeze %dma_wait3A_330 : memref<1x!tpu.dma_semaphore, #tpu.memory_space<semaphore_mem>> -> memref<!tpu.dma_semaphore, #tpu.memory_space<semaphore_mem>>
    %dma_wait3A_332 = arith.constant 0 : i32
    %dma_wait3A_333 = arith.constant 0 : i32
    %dma_wait3A_334 = tpu.memref_slice %arg3[%dma_wait3A_328, %dma_wait3A_332, %dma_wait3A_333] : memref<4x2048x1024xf32, #tpu.memory_space<vmem>> -> memref<1x2048x1024xf32, #tpu.memory_space<vmem>>
    %dma_wait3A_335 = tpu.memref_squeeze %dma_wait3A_334 : memref<1x2048x1024xf32, #tpu.memory_space<vmem>> -> memref<2048x1024xf32, #tpu.memory_space<vmem>>
    %dma_wait3A_336 = arith.constant 14336 : i32
    %dma_wait3A_337 = arith.constant 0 : i32
    %dma_wait3A_338 = tpu.memref_slice %arg0[%dma_wait3A_336, %dma_wait3A_337] : memref<32768x1024xf32, #tpu.memory_space<any>> -> memref<2048x1024xf32, #tpu.memory_space<any>>
    tpu.wait_dma2 semaphore(%dma_wait3A_331 : memref<!tpu.dma_semaphore, #tpu.memory_space<semaphore_mem>>) src(%dma_wait3A_338 : memref<2048x1024xf32, #tpu.memory_space<any>>) dst(%dma_wait3A_335 : memref<2048x1024xf32, #tpu.memory_space<vmem>>)
    %dma_start3A_339 = arith.constant 3 : i32
    %dma_start3A_340 = arith.constant 3 : i32
    %dma_start3A_341 = tpu.memref_slice %arg5[%dma_start3A_340] : memref<4x!tpu.dma_semaphore, #tpu.memory_space<semaphore_mem>> -> memref<1x!tpu.dma_semaphore, #tpu.memory_space<semaphore_mem>>
    %dma_start3A_342 = tpu.memref_squeeze %dma_start3A_341 : memref<1x!tpu.dma_semaphore, #tpu.memory_space<semaphore_mem>> -> memref<!tpu.dma_semaphore, #tpu.memory_space<semaphore_mem>>
    %dma_start3A_343 = arith.constant 14336 : i32
    %dma_start3A_344 = arith.constant 0 : i32
    %dma_start3A_345 = tpu.memref_slice %arg2[%dma_start3A_343, %dma_start3A_344] : memref<32768x1024xf32, #tpu.memory_space<any>> -> memref<2048x1024xf32, #tpu.memory_space<any>>
    %dma_start3A_346 = arith.constant 0 : i32
    %dma_start3A_347 = arith.constant 0 : i32
    %dma_start3A_348 = tpu.memref_slice %arg3[%dma_start3A_339, %dma_start3A_346, %dma_start3A_347] : memref<4x2048x1024xf32, #tpu.memory_space<vmem>> -> memref<1x2048x1024xf32, #tpu.memory_space<vmem>>
    %dma_start3A_349 = tpu.memref_squeeze %dma_start3A_348 : memref<1x2048x1024xf32, #tpu.memory_space<vmem>> -> memref<2048x1024xf32, #tpu.memory_space<vmem>>
    tpu.enqueue_dma source(%dma_start3A_349 : memref<2048x1024xf32, #tpu.memory_space<vmem>>) target(%dma_start3A_345 : memref<2048x1024xf32, #tpu.memory_space<any>>) target_semaphore(%dma_start3A_342 : memref<!tpu.dma_semaphore, #tpu.memory_space<semaphore_mem>>)
    %dma_wait3A_350 = arith.constant 2 : i32
    %dma_wait3A_351 = arith.constant 2 : i32
    %dma_wait3A_352 = tpu.memref_slice %arg5[%dma_wait3A_351] : memref<4x!tpu.dma_semaphore, #tpu.memory_space<semaphore_mem>> -> memref<1x!tpu.dma_semaphore, #tpu.memory_space<semaphore_mem>>
    %dma_wait3A_353 = tpu.memref_squeeze %dma_wait3A_352 : memref<1x!tpu.dma_semaphore, #tpu.memory_space<semaphore_mem>> -> memref<!tpu.dma_semaphore, #tpu.memory_space<semaphore_mem>>
    %dma_wait3A_354 = arith.constant 12288 : i32
    %dma_wait3A_355 = arith.constant 0 : i32
    %dma_wait3A_356 = tpu.memref_slice %arg2[%dma_wait3A_354, %dma_wait3A_355] : memref<32768x1024xf32, #tpu.memory_space<any>> -> memref<2048x1024xf32, #tpu.memory_space<any>>
    %dma_wait3A_357 = arith.constant 0 : i32
    %dma_wait3A_358 = arith.constant 0 : i32
    %dma_wait3A_359 = tpu.memref_slice %arg3[%dma_wait3A_350, %dma_wait3A_357, %dma_wait3A_358] : memref<4x2048x1024xf32, #tpu.memory_space<vmem>> -> memref<1x2048x1024xf32, #tpu.memory_space<vmem>>
    %dma_wait3A_360 = tpu.memref_squeeze %dma_wait3A_359 : memref<1x2048x1024xf32, #tpu.memory_space<vmem>> -> memref<2048x1024xf32, #tpu.memory_space<vmem>>
    tpu.wait_dma2 semaphore(%dma_wait3A_353 : memref<!tpu.dma_semaphore, #tpu.memory_space<semaphore_mem>>) src(%dma_wait3A_360 : memref<2048x1024xf32, #tpu.memory_space<vmem>>) dst(%dma_wait3A_356 : memref<2048x1024xf32, #tpu.memory_space<any>>)
    %dma_start3A_361 = arith.constant 2 : i32
    %dma_start3A_362 = arith.constant 2 : i32
    %dma_start3A_363 = tpu.memref_slice %arg4[%dma_start3A_362] : memref<4x!tpu.dma_semaphore, #tpu.memory_space<semaphore_mem>> -> memref<1x!tpu.dma_semaphore, #tpu.memory_space<semaphore_mem>>
    %dma_start3A_364 = tpu.memref_squeeze %dma_start3A_363 : memref<1x!tpu.dma_semaphore, #tpu.memory_space<semaphore_mem>> -> memref<!tpu.dma_semaphore, #tpu.memory_space<semaphore_mem>>
    %dma_start3A_365 = arith.constant 0 : i32
    %dma_start3A_366 = arith.constant 0 : i32
    %dma_start3A_367 = tpu.memref_slice %arg3[%dma_start3A_361, %dma_start3A_365, %dma_start3A_366] : memref<4x2048x1024xf32, #tpu.memory_space<vmem>> -> memref<1x2048x1024xf32, #tpu.memory_space<vmem>>
    %dma_start3A_368 = tpu.memref_squeeze %dma_start3A_367 : memref<1x2048x1024xf32, #tpu.memory_space<vmem>> -> memref<2048x1024xf32, #tpu.memory_space<vmem>>
    %dma_start3A_369 = arith.constant 20480 : i32
    %dma_start3A_370 = arith.constant 0 : i32
    %dma_start3A_371 = tpu.memref_slice %arg0[%dma_start3A_369, %dma_start3A_370] : memref<32768x1024xf32, #tpu.memory_space<any>> -> memref<2048x1024xf32, #tpu.memory_space<any>>
    tpu.enqueue_dma source(%dma_start3A_371 : memref<2048x1024xf32, #tpu.memory_space<any>>) target(%dma_start3A_368 : memref<2048x1024xf32, #tpu.memory_space<vmem>>) target_semaphore(%dma_start3A_364 : memref<!tpu.dma_semaphore, #tpu.memory_space<semaphore_mem>>)
    %dma_wait3A_372 = arith.constant 0 : i32
    %dma_wait3A_373 = arith.constant 0 : i32
    %dma_wait3A_374 = tpu.memref_slice %arg4[%dma_wait3A_373] : memref<4x!tpu.dma_semaphore, #tpu.memory_space<semaphore_mem>> -> memref<1x!tpu.dma_semaphore, #tpu.memory_space<semaphore_mem>>
    %dma_wait3A_375 = tpu.memref_squeeze %dma_wait3A_374 : memref<1x!tpu.dma_semaphore, #tpu.memory_space<semaphore_mem>> -> memref<!tpu.dma_semaphore, #tpu.memory_space<semaphore_mem>>
    %dma_wait3A_376 = arith.constant 0 : i32
    %dma_wait3A_377 = arith.constant 0 : i32
    %dma_wait3A_378 = tpu.memref_slice %arg3[%dma_wait3A_372, %dma_wait3A_376, %dma_wait3A_377] : memref<4x2048x1024xf32, #tpu.memory_space<vmem>> -> memref<1x2048x1024xf32, #tpu.memory_space<vmem>>
    %dma_wait3A_379 = tpu.memref_squeeze %dma_wait3A_378 : memref<1x2048x1024xf32, #tpu.memory_space<vmem>> -> memref<2048x1024xf32, #tpu.memory_space<vmem>>
    %dma_wait3A_380 = arith.constant 16384 : i32
    %dma_wait3A_381 = arith.constant 0 : i32
    %dma_wait3A_382 = tpu.memref_slice %arg0[%dma_wait3A_380, %dma_wait3A_381] : memref<32768x1024xf32, #tpu.memory_space<any>> -> memref<2048x1024xf32, #tpu.memory_space<any>>
    tpu.wait_dma2 semaphore(%dma_wait3A_375 : memref<!tpu.dma_semaphore, #tpu.memory_space<semaphore_mem>>) src(%dma_wait3A_382 : memref<2048x1024xf32, #tpu.memory_space<any>>) dst(%dma_wait3A_379 : memref<2048x1024xf32, #tpu.memory_space<vmem>>)
    %get3A = arith.constant 0 : index
    %get3A_383 = arith.constant 0 : index
    %get3A_384 = vector.load %arg1[%get3A, %get3A_383] : memref<8x128xf32, #tpu.memory_space<vmem>>, vector<8x128xf32>
    %swap3A = arith.constant 0 : index
    %swap3A_385 = arith.constant 0 : index
    %swap3A_386 = arith.constant 0 : index
    %swap3A_387 = vector.load %arg3[%swap3A, %swap3A_385, %swap3A_386] : memref<4x2048x1024xf32, #tpu.memory_space<vmem>>, vector<1x8x128xf32>
    %swap3A_388 = vector.shape_cast %swap3A_387 : vector<1x8x128xf32> to vector<8x128xf32>
    %swap3A_389 = vector.shape_cast %get3A_384 : vector<8x128xf32> to vector<1x8x128xf32>
    tpu.vector_store %arg3[%swap3A, %swap3A_385, %swap3A_386], %swap3A_389 {strides = array<i32>} : memref<4x2048x1024xf32, #tpu.memory_space<vmem>>, vector<1x8x128xf32>,
    %dma_start3A_390 = arith.constant 0 : i32
    %dma_start3A_391 = arith.constant 0 : i32
    %dma_start3A_392 = tpu.memref_slice %arg5[%dma_start3A_391] : memref<4x!tpu.dma_semaphore, #tpu.memory_space<semaphore_mem>> -> memref<1x!tpu.dma_semaphore, #tpu.memory_space<semaphore_mem>>
    %dma_start3A_393 = tpu.memref_squeeze %dma_start3A_392 : memref<1x!tpu.dma_semaphore, #tpu.memory_space<semaphore_mem>> -> memref<!tpu.dma_semaphore, #tpu.memory_space<semaphore_mem>>
    %dma_start3A_394 = arith.constant 16384 : i32
    %dma_start3A_395 = arith.constant 0 : i32
    %dma_start3A_396 = tpu.memref_slice %arg2[%dma_start3A_394, %dma_start3A_395] : memref<32768x1024xf32, #tpu.memory_space<any>> -> memref<2048x1024xf32, #tpu.memory_space<any>>
    %dma_start3A_397 = arith.constant 0 : i32
    %dma_start3A_398 = arith.constant 0 : i32
    %dma_start3A_399 = tpu.memref_slice %arg3[%dma_start3A_390, %dma_start3A_397, %dma_start3A_398] : memref<4x2048x1024xf32, #tpu.memory_space<vmem>> -> memref<1x2048x1024xf32, #tpu.memory_space<vmem>>
    %dma_start3A_400 = tpu.memref_squeeze %dma_start3A_399 : memref<1x2048x1024xf32, #tpu.memory_space<vmem>> -> memref<2048x1024xf32, #tpu.memory_space<vmem>>
    tpu.enqueue_dma source(%dma_start3A_400 : memref<2048x1024xf32, #tpu.memory_space<vmem>>) target(%dma_start3A_396 : memref<2048x1024xf32, #tpu.memory_space<any>>) target_semaphore(%dma_start3A_393 : memref<!tpu.dma_semaphore, #tpu.memory_space<semaphore_mem>>)
    %dma_wait3A_401 = arith.constant 3 : i32
    %dma_wait3A_402 = arith.constant 3 : i32
    %dma_wait3A_403 = tpu.memref_slice %arg5[%dma_wait3A_402] : memref<4x!tpu.dma_semaphore, #tpu.memory_space<semaphore_mem>> -> memref<1x!tpu.dma_semaphore, #tpu.memory_space<semaphore_mem>>
    %dma_wait3A_404 = tpu.memref_squeeze %dma_wait3A_403 : memref<1x!tpu.dma_semaphore, #tpu.memory_space<semaphore_mem>> -> memref<!tpu.dma_semaphore, #tpu.memory_space<semaphore_mem>>
    %dma_wait3A_405 = arith.constant 14336 : i32
    %dma_wait3A_406 = arith.constant 0 : i32
    %dma_wait3A_407 = tpu.memref_slice %arg2[%dma_wait3A_405, %dma_wait3A_406] : memref<32768x1024xf32, #tpu.memory_space<any>> -> memref<2048x1024xf32, #tpu.memory_space<any>>
    %dma_wait3A_408 = arith.constant 0 : i32
    %dma_wait3A_409 = arith.constant 0 : i32
    %dma_wait3A_410 = tpu.memref_slice %arg3[%dma_wait3A_401, %dma_wait3A_408, %dma_wait3A_409] : memref<4x2048x1024xf32, #tpu.memory_space<vmem>> -> memref<1x2048x1024xf32, #tpu.memory_space<vmem>>
    %dma_wait3A_411 = tpu.memref_squeeze %dma_wait3A_410 : memref<1x2048x1024xf32, #tpu.memory_space<vmem>> -> memref<2048x1024xf32, #tpu.memory_space<vmem>>
    tpu.wait_dma2 semaphore(%dma_wait3A_404 : memref<!tpu.dma_semaphore, #tpu.memory_space<semaphore_mem>>) src(%dma_wait3A_411 : memref<2048x1024xf32, #tpu.memory_space<vmem>>) dst(%dma_wait3A_407 : memref<2048x1024xf32, #tpu.memory_space<any>>)
    %dma_start3A_412 = arith.constant 3 : i32
    %dma_start3A_413 = arith.constant 3 : i32
    %dma_start3A_414 = tpu.memref_slice %arg4[%dma_start3A_413] : memref<4x!tpu.dma_semaphore, #tpu.memory_space<semaphore_mem>> -> memref<1x!tpu.dma_semaphore, #tpu.memory_space<semaphore_mem>>
    %dma_start3A_415 = tpu.memref_squeeze %dma_start3A_414 : memref<1x!tpu.dma_semaphore, #tpu.memory_space<semaphore_mem>> -> memref<!tpu.dma_semaphore, #tpu.memory_space<semaphore_mem>>
    %dma_start3A_416 = arith.constant 0 : i32
    %dma_start3A_417 = arith.constant 0 : i32
    %dma_start3A_418 = tpu.memref_slice %arg3[%dma_start3A_412, %dma_start3A_416, %dma_start3A_417] : memref<4x2048x1024xf32, #tpu.memory_space<vmem>> -> memref<1x2048x1024xf32, #tpu.memory_space<vmem>>
    %dma_start3A_419 = tpu.memref_squeeze %dma_start3A_418 : memref<1x2048x1024xf32, #tpu.memory_space<vmem>> -> memref<2048x1024xf32, #tpu.memory_space<vmem>>
    %dma_start3A_420 = arith.constant 22528 : i32
    %dma_start3A_421 = arith.constant 0 : i32
    %dma_start3A_422 = tpu.memref_slice %arg0[%dma_start3A_420, %dma_start3A_421] : memref<32768x1024xf32, #tpu.memory_space<any>> -> memref<2048x1024xf32, #tpu.memory_space<any>>
    tpu.enqueue_dma source(%dma_start3A_422 : memref<2048x1024xf32, #tpu.memory_space<any>>) target(%dma_start3A_419 : memref<2048x1024xf32, #tpu.memory_space<vmem>>) target_semaphore(%dma_start3A_415 : memref<!tpu.dma_semaphore, #tpu.memory_space<semaphore_mem>>)
    %dma_wait3A_423 = arith.constant 1 : i32
    %dma_wait3A_424 = arith.constant 1 : i32
    %dma_wait3A_425 = tpu.memref_slice %arg4[%dma_wait3A_424] : memref<4x!tpu.dma_semaphore, #tpu.memory_space<semaphore_mem>> -> memref<1x!tpu.dma_semaphore, #tpu.memory_space<semaphore_mem>>
    %dma_wait3A_426 = tpu.memref_squeeze %dma_wait3A_425 : memref<1x!tpu.dma_semaphore, #tpu.memory_space<semaphore_mem>> -> memref<!tpu.dma_semaphore, #tpu.memory_space<semaphore_mem>>
    %dma_wait3A_427 = arith.constant 0 : i32
    %dma_wait3A_428 = arith.constant 0 : i32
    %dma_wait3A_429 = tpu.memref_slice %arg3[%dma_wait3A_423, %dma_wait3A_427, %dma_wait3A_428] : memref<4x2048x1024xf32, #tpu.memory_space<vmem>> -> memref<1x2048x1024xf32, #tpu.memory_space<vmem>>
    %dma_wait3A_430 = tpu.memref_squeeze %dma_wait3A_429 : memref<1x2048x1024xf32, #tpu.memory_space<vmem>> -> memref<2048x1024xf32, #tpu.memory_space<vmem>>
    %dma_wait3A_431 = arith.constant 18432 : i32
    %dma_wait3A_432 = arith.constant 0 : i32
    %dma_wait3A_433 = tpu.memref_slice %arg0[%dma_wait3A_431, %dma_wait3A_432] : memref<32768x1024xf32, #tpu.memory_space<any>> -> memref<2048x1024xf32, #tpu.memory_space<any>>
    tpu.wait_dma2 semaphore(%dma_wait3A_426 : memref<!tpu.dma_semaphore, #tpu.memory_space<semaphore_mem>>) src(%dma_wait3A_433 : memref<2048x1024xf32, #tpu.memory_space<any>>) dst(%dma_wait3A_430 : memref<2048x1024xf32, #tpu.memory_space<vmem>>)
    %dma_start3A_434 = arith.constant 1 : i32
    %dma_start3A_435 = arith.constant 1 : i32
    %dma_start3A_436 = tpu.memref_slice %arg5[%dma_start3A_435] : memref<4x!tpu.dma_semaphore, #tpu.memory_space<semaphore_mem>> -> memref<1x!tpu.dma_semaphore, #tpu.memory_space<semaphore_mem>>
    %dma_start3A_437 = tpu.memref_squeeze %dma_start3A_436 : memref<1x!tpu.dma_semaphore, #tpu.memory_space<semaphore_mem>> -> memref<!tpu.dma_semaphore, #tpu.memory_space<semaphore_mem>>
    %dma_start3A_438 = arith.constant 18432 : i32
    %dma_start3A_439 = arith.constant 0 : i32
    %dma_start3A_440 = tpu.memref_slice %arg2[%dma_start3A_438, %dma_start3A_439] : memref<32768x1024xf32, #tpu.memory_space<any>> -> memref<2048x1024xf32, #tpu.memory_space<any>>
    %dma_start3A_441 = arith.constant 0 : i32
    %dma_start3A_442 = arith.constant 0 : i32
    %dma_start3A_443 = tpu.memref_slice %arg3[%dma_start3A_434, %dma_start3A_441, %dma_start3A_442] : memref<4x2048x1024xf32, #tpu.memory_space<vmem>> -> memref<1x2048x1024xf32, #tpu.memory_space<vmem>>
    %dma_start3A_444 = tpu.memref_squeeze %dma_start3A_443 : memref<1x2048x1024xf32, #tpu.memory_space<vmem>> -> memref<2048x1024xf32, #tpu.memory_space<vmem>>
    tpu.enqueue_dma source(%dma_start3A_444 : memref<2048x1024xf32, #tpu.memory_space<vmem>>) target(%dma_start3A_440 : memref<2048x1024xf32, #tpu.memory_space<any>>) target_semaphore(%dma_start3A_437 : memref<!tpu.dma_semaphore, #tpu.memory_space<semaphore_mem>>)
    %dma_wait3A_445 = arith.constant 0 : i32
    %dma_wait3A_446 = arith.constant 0 : i32
    %dma_wait3A_447 = tpu.memref_slice %arg5[%dma_wait3A_446] : memref<4x!tpu.dma_semaphore, #tpu.memory_space<semaphore_mem>> -> memref<1x!tpu.dma_semaphore, #tpu.memory_space<semaphore_mem>>
    %dma_wait3A_448 = tpu.memref_squeeze %dma_wait3A_447 : memref<1x!tpu.dma_semaphore, #tpu.memory_space<semaphore_mem>> -> memref<!tpu.dma_semaphore, #tpu.memory_space<semaphore_mem>>
    %dma_wait3A_449 = arith.constant 16384 : i32
    %dma_wait3A_450 = arith.constant 0 : i32
    %dma_wait3A_451 = tpu.memref_slice %arg2[%dma_wait3A_449, %dma_wait3A_450] : memref<32768x1024xf32, #tpu.memory_space<any>> -> memref<2048x1024xf32, #tpu.memory_space<any>>
    %dma_wait3A_452 = arith.constant 0 : i32
    %dma_wait3A_453 = arith.constant 0 : i32
    %dma_wait3A_454 = tpu.memref_slice %arg3[%dma_wait3A_445, %dma_wait3A_452, %dma_wait3A_453] : memref<4x2048x1024xf32, #tpu.memory_space<vmem>> -> memref<1x2048x1024xf32, #tpu.memory_space<vmem>>
    %dma_wait3A_455 = tpu.memref_squeeze %dma_wait3A_454 : memref<1x2048x1024xf32, #tpu.memory_space<vmem>> -> memref<2048x1024xf32, #tpu.memory_space<vmem>>
    tpu.wait_dma2 semaphore(%dma_wait3A_448 : memref<!tpu.dma_semaphore, #tpu.memory_space<semaphore_mem>>) src(%dma_wait3A_455 : memref<2048x1024xf32, #tpu.memory_space<vmem>>) dst(%dma_wait3A_451 : memref<2048x1024xf32, #tpu.memory_space<any>>)
    %dma_start3A_456 = arith.constant 0 : i32
    %dma_start3A_457 = arith.constant 0 : i32
    %dma_start3A_458 = tpu.memref_slice %arg4[%dma_start3A_457] : memref<4x!tpu.dma_semaphore, #tpu.memory_space<semaphore_mem>> -> memref<1x!tpu.dma_semaphore, #tpu.memory_space<semaphore_mem>>
    %dma_start3A_459 = tpu.memref_squeeze %dma_start3A_458 : memref<1x!tpu.dma_semaphore, #tpu.memory_space<semaphore_mem>> -> memref<!tpu.dma_semaphore, #tpu.memory_space<semaphore_mem>>
    %dma_start3A_460 = arith.constant 0 : i32
    %dma_start3A_461 = arith.constant 0 : i32
    %dma_start3A_462 = tpu.memref_slice %arg3[%dma_start3A_456, %dma_start3A_460, %dma_start3A_461] : memref<4x2048x1024xf32, #tpu.memory_space<vmem>> -> memref<1x2048x1024xf32, #tpu.memory_space<vmem>>
    %dma_start3A_463 = tpu.memref_squeeze %dma_start3A_462 : memref<1x2048x1024xf32, #tpu.memory_space<vmem>> -> memref<2048x1024xf32, #tpu.memory_space<vmem>>
    %dma_start3A_464 = arith.constant 24576 : i32
    %dma_start3A_465 = arith.constant 0 : i32
    %dma_start3A_466 = tpu.memref_slice %arg0[%dma_start3A_464, %dma_start3A_465] : memref<32768x1024xf32, #tpu.memory_space<any>> -> memref<2048x1024xf32, #tpu.memory_space<any>>
    tpu.enqueue_dma source(%dma_start3A_466 : memref<2048x1024xf32, #tpu.memory_space<any>>) target(%dma_start3A_463 : memref<2048x1024xf32, #tpu.memory_space<vmem>>) target_semaphore(%dma_start3A_459 : memref<!tpu.dma_semaphore, #tpu.memory_space<semaphore_mem>>)
    %dma_wait3A_467 = arith.constant 2 : i32
    %dma_wait3A_468 = arith.constant 2 : i32
    %dma_wait3A_469 = tpu.memref_slice %arg4[%dma_wait3A_468] : memref<4x!tpu.dma_semaphore, #tpu.memory_space<semaphore_mem>> -> memref<1x!tpu.dma_semaphore, #tpu.memory_space<semaphore_mem>>
    %dma_wait3A_470 = tpu.memref_squeeze %dma_wait3A_469 : memref<1x!tpu.dma_semaphore, #tpu.memory_space<semaphore_mem>> -> memref<!tpu.dma_semaphore, #tpu.memory_space<semaphore_mem>>
    %dma_wait3A_471 = arith.constant 0 : i32
    %dma_wait3A_472 = arith.constant 0 : i32
    %dma_wait3A_473 = tpu.memref_slice %arg3[%dma_wait3A_467, %dma_wait3A_471, %dma_wait3A_472] : memref<4x2048x1024xf32, #tpu.memory_space<vmem>> -> memref<1x2048x1024xf32, #tpu.memory_space<vmem>>
    %dma_wait3A_474 = tpu.memref_squeeze %dma_wait3A_473 : memref<1x2048x1024xf32, #tpu.memory_space<vmem>> -> memref<2048x1024xf32, #tpu.memory_space<vmem>>
    %dma_wait3A_475 = arith.constant 20480 : i32
    %dma_wait3A_476 = arith.constant 0 : i32
    %dma_wait3A_477 = tpu.memref_slice %arg0[%dma_wait3A_475, %dma_wait3A_476] : memref<32768x1024xf32, #tpu.memory_space<any>> -> memref<2048x1024xf32, #tpu.memory_space<any>>
    tpu.wait_dma2 semaphore(%dma_wait3A_470 : memref<!tpu.dma_semaphore, #tpu.memory_space<semaphore_mem>>) src(%dma_wait3A_477 : memref<2048x1024xf32, #tpu.memory_space<any>>) dst(%dma_wait3A_474 : memref<2048x1024xf32, #tpu.memory_space<vmem>>)
    %dma_start3A_478 = arith.constant 2 : i32
    %dma_start3A_479 = arith.constant 2 : i32
    %dma_start3A_480 = tpu.memref_slice %arg5[%dma_start3A_479] : memref<4x!tpu.dma_semaphore, #tpu.memory_space<semaphore_mem>> -> memref<1x!tpu.dma_semaphore, #tpu.memory_space<semaphore_mem>>
    %dma_start3A_481 = tpu.memref_squeeze %dma_start3A_480 : memref<1x!tpu.dma_semaphore, #tpu.memory_space<semaphore_mem>> -> memref<!tpu.dma_semaphore, #tpu.memory_space<semaphore_mem>>
    %dma_start3A_482 = arith.constant 20480 : i32
    %dma_start3A_483 = arith.constant 0 : i32
    %dma_start3A_484 = tpu.memref_slice %arg2[%dma_start3A_482, %dma_start3A_483] : memref<32768x1024xf32, #tpu.memory_space<any>> -> memref<2048x1024xf32, #tpu.memory_space<any>>
    %dma_start3A_485 = arith.constant 0 : i32
    %dma_start3A_486 = arith.constant 0 : i32
    %dma_start3A_487 = tpu.memref_slice %arg3[%dma_start3A_478, %dma_start3A_485, %dma_start3A_486] : memref<4x2048x1024xf32, #tpu.memory_space<vmem>> -> memref<1x2048x1024xf32, #tpu.memory_space<vmem>>
    %dma_start3A_488 = tpu.memref_squeeze %dma_start3A_487 : memref<1x2048x1024xf32, #tpu.memory_space<vmem>> -> memref<2048x1024xf32, #tpu.memory_space<vmem>>
    tpu.enqueue_dma source(%dma_start3A_488 : memref<2048x1024xf32, #tpu.memory_space<vmem>>) target(%dma_start3A_484 : memref<2048x1024xf32, #tpu.memory_space<any>>) target_semaphore(%dma_start3A_481 : memref<!tpu.dma_semaphore, #tpu.memory_space<semaphore_mem>>)
    %dma_wait3A_489 = arith.constant 1 : i32
    %dma_wait3A_490 = arith.constant 1 : i32
    %dma_wait3A_491 = tpu.memref_slice %arg5[%dma_wait3A_490] : memref<4x!tpu.dma_semaphore, #tpu.memory_space<semaphore_mem>> -> memref<1x!tpu.dma_semaphore, #tpu.memory_space<semaphore_mem>>
    %dma_wait3A_492 = tpu.memref_squeeze %dma_wait3A_491 : memref<1x!tpu.dma_semaphore, #tpu.memory_space<semaphore_mem>> -> memref<!tpu.dma_semaphore, #tpu.memory_space<semaphore_mem>>
    %dma_wait3A_493 = arith.constant 18432 : i32
    %dma_wait3A_494 = arith.constant 0 : i32
    %dma_wait3A_495 = tpu.memref_slice %arg2[%dma_wait3A_493, %dma_wait3A_494] : memref<32768x1024xf32, #tpu.memory_space<any>> -> memref<2048x1024xf32, #tpu.memory_space<any>>
    %dma_wait3A_496 = arith.constant 0 : i32
    %dma_wait3A_497 = arith.constant 0 : i32
    %dma_wait3A_498 = tpu.memref_slice %arg3[%dma_wait3A_489, %dma_wait3A_496, %dma_wait3A_497] : memref<4x2048x1024xf32, #tpu.memory_space<vmem>> -> memref<1x2048x1024xf32, #tpu.memory_space<vmem>>
    %dma_wait3A_499 = tpu.memref_squeeze %dma_wait3A_498 : memref<1x2048x1024xf32, #tpu.memory_space<vmem>> -> memref<2048x1024xf32, #tpu.memory_space<vmem>>
    tpu.wait_dma2 semaphore(%dma_wait3A_492 : memref<!tpu.dma_semaphore, #tpu.memory_space<semaphore_mem>>) src(%dma_wait3A_499 : memref<2048x1024xf32, #tpu.memory_space<vmem>>) dst(%dma_wait3A_495 : memref<2048x1024xf32, #tpu.memory_space<any>>)
    %dma_start3A_500 = arith.constant 1 : i32
    %dma_start3A_501 = arith.constant 1 : i32
    %dma_start3A_502 = tpu.memref_slice %arg4[%dma_start3A_501] : memref<4x!tpu.dma_semaphore, #tpu.memory_space<semaphore_mem>> -> memref<1x!tpu.dma_semaphore, #tpu.memory_space<semaphore_mem>>
    %dma_start3A_503 = tpu.memref_squeeze %dma_start3A_502 : memref<1x!tpu.dma_semaphore, #tpu.memory_space<semaphore_mem>> -> memref<!tpu.dma_semaphore, #tpu.memory_space<semaphore_mem>>
    %dma_start3A_504 = arith.constant 0 : i32
    %dma_start3A_505 = arith.constant 0 : i32
    %dma_start3A_506 = tpu.memref_slice %arg3[%dma_start3A_500, %dma_start3A_504, %dma_start3A_505] : memref<4x2048x1024xf32, #tpu.memory_space<vmem>> -> memref<1x2048x1024xf32, #tpu.memory_space<vmem>>
    %dma_start3A_507 = tpu.memref_squeeze %dma_start3A_506 : memref<1x2048x1024xf32, #tpu.memory_space<vmem>> -> memref<2048x1024xf32, #tpu.memory_space<vmem>>
    %dma_start3A_508 = arith.constant 26624 : i32
    %dma_start3A_509 = arith.constant 0 : i32
    %dma_start3A_510 = tpu.memref_slice %arg0[%dma_start3A_508, %dma_start3A_509] : memref<32768x1024xf32, #tpu.memory_space<any>> -> memref<2048x1024xf32, #tpu.memory_space<any>>
    tpu.enqueue_dma source(%dma_start3A_510 : memref<2048x1024xf32, #tpu.memory_space<any>>) target(%dma_start3A_507 : memref<2048x1024xf32, #tpu.memory_space<vmem>>) target_semaphore(%dma_start3A_503 : memref<!tpu.dma_semaphore, #tpu.memory_space<semaphore_mem>>)
    %dma_wait3A_511 = arith.constant 3 : i32
    %dma_wait3A_512 = arith.constant 3 : i32
    %dma_wait3A_513 = tpu.memref_slice %arg4[%dma_wait3A_512] : memref<4x!tpu.dma_semaphore, #tpu.memory_space<semaphore_mem>> -> memref<1x!tpu.dma_semaphore, #tpu.memory_space<semaphore_mem>>
    %dma_wait3A_514 = tpu.memref_squeeze %dma_wait3A_513 : memref<1x!tpu.dma_semaphore, #tpu.memory_space<semaphore_mem>> -> memref<!tpu.dma_semaphore, #tpu.memory_space<semaphore_mem>>
    %dma_wait3A_515 = arith.constant 0 : i32
    %dma_wait3A_516 = arith.constant 0 : i32
    %dma_wait3A_517 = tpu.memref_slice %arg3[%dma_wait3A_511, %dma_wait3A_515, %dma_wait3A_516] : memref<4x2048x1024xf32, #tpu.memory_space<vmem>> -> memref<1x2048x1024xf32, #tpu.memory_space<vmem>>
    %dma_wait3A_518 = tpu.memref_squeeze %dma_wait3A_517 : memref<1x2048x1024xf32, #tpu.memory_space<vmem>> -> memref<2048x1024xf32, #tpu.memory_space<vmem>>
    %dma_wait3A_519 = arith.constant 22528 : i32
    %dma_wait3A_520 = arith.constant 0 : i32
    %dma_wait3A_521 = tpu.memref_slice %arg0[%dma_wait3A_519, %dma_wait3A_520] : memref<32768x1024xf32, #tpu.memory_space<any>> -> memref<2048x1024xf32, #tpu.memory_space<any>>
    tpu.wait_dma2 semaphore(%dma_wait3A_514 : memref<!tpu.dma_semaphore, #tpu.memory_space<semaphore_mem>>) src(%dma_wait3A_521 : memref<2048x1024xf32, #tpu.memory_space<any>>) dst(%dma_wait3A_518 : memref<2048x1024xf32, #tpu.memory_space<vmem>>)
    %dma_start3A_522 = arith.constant 3 : i32
    %dma_start3A_523 = arith.constant 3 : i32
    %dma_start3A_524 = tpu.memref_slice %arg5[%dma_start3A_523] : memref<4x!tpu.dma_semaphore, #tpu.memory_space<semaphore_mem>> -> memref<1x!tpu.dma_semaphore, #tpu.memory_space<semaphore_mem>>
    %dma_start3A_525 = tpu.memref_squeeze %dma_start3A_524 : memref<1x!tpu.dma_semaphore, #tpu.memory_space<semaphore_mem>> -> memref<!tpu.dma_semaphore, #tpu.memory_space<semaphore_mem>>
    %dma_start3A_526 = arith.constant 22528 : i32
    %dma_start3A_527 = arith.constant 0 : i32
    %dma_start3A_528 = tpu.memref_slice %arg2[%dma_start3A_526, %dma_start3A_527] : memref<32768x1024xf32, #tpu.memory_space<any>> -> memref<2048x1024xf32, #tpu.memory_space<any>>
    %dma_start3A_529 = arith.constant 0 : i32
    %dma_start3A_530 = arith.constant 0 : i32
    %dma_start3A_531 = tpu.memref_slice %arg3[%dma_start3A_522, %dma_start3A_529, %dma_start3A_530] : memref<4x2048x1024xf32, #tpu.memory_space<vmem>> -> memref<1x2048x1024xf32, #tpu.memory_space<vmem>>
    %dma_start3A_532 = tpu.memref_squeeze %dma_start3A_531 : memref<1x2048x1024xf32, #tpu.memory_space<vmem>> -> memref<2048x1024xf32, #tpu.memory_space<vmem>>
    tpu.enqueue_dma source(%dma_start3A_532 : memref<2048x1024xf32, #tpu.memory_space<vmem>>) target(%dma_start3A_528 : memref<2048x1024xf32, #tpu.memory_space<any>>) target_semaphore(%dma_start3A_525 : memref<!tpu.dma_semaphore, #tpu.memory_space<semaphore_mem>>)
    %dma_wait3A_533 = arith.constant 2 : i32
    %dma_wait3A_534 = arith.constant 2 : i32
    %dma_wait3A_535 = tpu.memref_slice %arg5[%dma_wait3A_534] : memref<4x!tpu.dma_semaphore, #tpu.memory_space<semaphore_mem>> -> memref<1x!tpu.dma_semaphore, #tpu.memory_space<semaphore_mem>>
    %dma_wait3A_536 = tpu.memref_squeeze %dma_wait3A_535 : memref<1x!tpu.dma_semaphore, #tpu.memory_space<semaphore_mem>> -> memref<!tpu.dma_semaphore, #tpu.memory_space<semaphore_mem>>
    %dma_wait3A_537 = arith.constant 20480 : i32
    %dma_wait3A_538 = arith.constant 0 : i32
    %dma_wait3A_539 = tpu.memref_slice %arg2[%dma_wait3A_537, %dma_wait3A_538] : memref<32768x1024xf32, #tpu.memory_space<any>> -> memref<2048x1024xf32, #tpu.memory_space<any>>
    %dma_wait3A_540 = arith.constant 0 : i32
    %dma_wait3A_541 = arith.constant 0 : i32
    %dma_wait3A_542 = tpu.memref_slice %arg3[%dma_wait3A_533, %dma_wait3A_540, %dma_wait3A_541] : memref<4x2048x1024xf32, #tpu.memory_space<vmem>> -> memref<1x2048x1024xf32, #tpu.memory_space<vmem>>
    %dma_wait3A_543 = tpu.memref_squeeze %dma_wait3A_542 : memref<1x2048x1024xf32, #tpu.memory_space<vmem>> -> memref<2048x1024xf32, #tpu.memory_space<vmem>>
    tpu.wait_dma2 semaphore(%dma_wait3A_536 : memref<!tpu.dma_semaphore, #tpu.memory_space<semaphore_mem>>) src(%dma_wait3A_543 : memref<2048x1024xf32, #tpu.memory_space<vmem>>) dst(%dma_wait3A_539 : memref<2048x1024xf32, #tpu.memory_space<any>>)
    %dma_start3A_544 = arith.constant 2 : i32
    %dma_start3A_545 = arith.constant 2 : i32
    %dma_start3A_546 = tpu.memref_slice %arg4[%dma_start3A_545] : memref<4x!tpu.dma_semaphore, #tpu.memory_space<semaphore_mem>> -> memref<1x!tpu.dma_semaphore, #tpu.memory_space<semaphore_mem>>
    %dma_start3A_547 = tpu.memref_squeeze %dma_start3A_546 : memref<1x!tpu.dma_semaphore, #tpu.memory_space<semaphore_mem>> -> memref<!tpu.dma_semaphore, #tpu.memory_space<semaphore_mem>>
    %dma_start3A_548 = arith.constant 0 : i32
    %dma_start3A_549 = arith.constant 0 : i32
    %dma_start3A_550 = tpu.memref_slice %arg3[%dma_start3A_544, %dma_start3A_548, %dma_start3A_549] : memref<4x2048x1024xf32, #tpu.memory_space<vmem>> -> memref<1x2048x1024xf32, #tpu.memory_space<vmem>>
    %dma_start3A_551 = tpu.memref_squeeze %dma_start3A_550 : memref<1x2048x1024xf32, #tpu.memory_space<vmem>> -> memref<2048x1024xf32, #tpu.memory_space<vmem>>
    %dma_start3A_552 = arith.constant 28672 : i32
    %dma_start3A_553 = arith.constant 0 : i32
    %dma_start3A_554 = tpu.memref_slice %arg0[%dma_start3A_552, %dma_start3A_553] : memref<32768x1024xf32, #tpu.memory_space<any>> -> memref<2048x1024xf32, #tpu.memory_space<any>>
    tpu.enqueue_dma source(%dma_start3A_554 : memref<2048x1024xf32, #tpu.memory_space<any>>) target(%dma_start3A_551 : memref<2048x1024xf32, #tpu.memory_space<vmem>>) target_semaphore(%dma_start3A_547 : memref<!tpu.dma_semaphore, #tpu.memory_space<semaphore_mem>>)
    %dma_wait3A_555 = arith.constant 0 : i32
    %dma_wait3A_556 = arith.constant 0 : i32
    %dma_wait3A_557 = tpu.memref_slice %arg4[%dma_wait3A_556] : memref<4x!tpu.dma_semaphore, #tpu.memory_space<semaphore_mem>> -> memref<1x!tpu.dma_semaphore, #tpu.memory_space<semaphore_mem>>
    %dma_wait3A_558 = tpu.memref_squeeze %dma_wait3A_557 : memref<1x!tpu.dma_semaphore, #tpu.memory_space<semaphore_mem>> -> memref<!tpu.dma_semaphore, #tpu.memory_space<semaphore_mem>>
    %dma_wait3A_559 = arith.constant 0 : i32
    %dma_wait3A_560 = arith.constant 0 : i32
    %dma_wait3A_561 = tpu.memref_slice %arg3[%dma_wait3A_555, %dma_wait3A_559, %dma_wait3A_560] : memref<4x2048x1024xf32, #tpu.memory_space<vmem>> -> memref<1x2048x1024xf32, #tpu.memory_space<vmem>>
    %dma_wait3A_562 = tpu.memref_squeeze %dma_wait3A_561 : memref<1x2048x1024xf32, #tpu.memory_space<vmem>> -> memref<2048x1024xf32, #tpu.memory_space<vmem>>
    %dma_wait3A_563 = arith.constant 24576 : i32
    %dma_wait3A_564 = arith.constant 0 : i32
    %dma_wait3A_565 = tpu.memref_slice %arg0[%dma_wait3A_563, %dma_wait3A_564] : memref<32768x1024xf32, #tpu.memory_space<any>> -> memref<2048x1024xf32, #tpu.memory_space<any>>
    tpu.wait_dma2 semaphore(%dma_wait3A_558 : memref<!tpu.dma_semaphore, #tpu.memory_space<semaphore_mem>>) src(%dma_wait3A_565 : memref<2048x1024xf32, #tpu.memory_space<any>>) dst(%dma_wait3A_562 : memref<2048x1024xf32, #tpu.memory_space<vmem>>)
    %dma_start3A_566 = arith.constant 0 : i32
    %dma_start3A_567 = arith.constant 0 : i32
    %dma_start3A_568 = tpu.memref_slice %arg5[%dma_start3A_567] : memref<4x!tpu.dma_semaphore, #tpu.memory_space<semaphore_mem>> -> memref<1x!tpu.dma_semaphore, #tpu.memory_space<semaphore_mem>>
    %dma_start3A_569 = tpu.memref_squeeze %dma_start3A_568 : memref<1x!tpu.dma_semaphore, #tpu.memory_space<semaphore_mem>> -> memref<!tpu.dma_semaphore, #tpu.memory_space<semaphore_mem>>
    %dma_start3A_570 = arith.constant 24576 : i32
    %dma_start3A_571 = arith.constant 0 : i32
    %dma_start3A_572 = tpu.memref_slice %arg2[%dma_start3A_570, %dma_start3A_571] : memref<32768x1024xf32, #tpu.memory_space<any>> -> memref<2048x1024xf32, #tpu.memory_space<any>>
    %dma_start3A_573 = arith.constant 0 : i32
    %dma_start3A_574 = arith.constant 0 : i32
    %dma_start3A_575 = tpu.memref_slice %arg3[%dma_start3A_566, %dma_start3A_573, %dma_start3A_574] : memref<4x2048x1024xf32, #tpu.memory_space<vmem>> -> memref<1x2048x1024xf32, #tpu.memory_space<vmem>>
    %dma_start3A_576 = tpu.memref_squeeze %dma_start3A_575 : memref<1x2048x1024xf32, #tpu.memory_space<vmem>> -> memref<2048x1024xf32, #tpu.memory_space<vmem>>
    tpu.enqueue_dma source(%dma_start3A_576 : memref<2048x1024xf32, #tpu.memory_space<vmem>>) target(%dma_start3A_572 : memref<2048x1024xf32, #tpu.memory_space<any>>) target_semaphore(%dma_start3A_569 : memref<!tpu.dma_semaphore, #tpu.memory_space<semaphore_mem>>)
    %dma_wait3A_577 = arith.constant 3 : i32
    %dma_wait3A_578 = arith.constant 3 : i32
    %dma_wait3A_579 = tpu.memref_slice %arg5[%dma_wait3A_578] : memref<4x!tpu.dma_semaphore, #tpu.memory_space<semaphore_mem>> -> memref<1x!tpu.dma_semaphore, #tpu.memory_space<semaphore_mem>>
    %dma_wait3A_580 = tpu.memref_squeeze %dma_wait3A_579 : memref<1x!tpu.dma_semaphore, #tpu.memory_space<semaphore_mem>> -> memref<!tpu.dma_semaphore, #tpu.memory_space<semaphore_mem>>
    %dma_wait3A_581 = arith.constant 22528 : i32
    %dma_wait3A_582 = arith.constant 0 : i32
    %dma_wait3A_583 = tpu.memref_slice %arg2[%dma_wait3A_581, %dma_wait3A_582] : memref<32768x1024xf32, #tpu.memory_space<any>> -> memref<2048x1024xf32, #tpu.memory_space<any>>
    %dma_wait3A_584 = arith.constant 0 : i32
    %dma_wait3A_585 = arith.constant 0 : i32
    %dma_wait3A_586 = tpu.memref_slice %arg3[%dma_wait3A_577, %dma_wait3A_584, %dma_wait3A_585] : memref<4x2048x1024xf32, #tpu.memory_space<vmem>> -> memref<1x2048x1024xf32, #tpu.memory_space<vmem>>
    %dma_wait3A_587 = tpu.memref_squeeze %dma_wait3A_586 : memref<1x2048x1024xf32, #tpu.memory_space<vmem>> -> memref<2048x1024xf32, #tpu.memory_space<vmem>>
    tpu.wait_dma2 semaphore(%dma_wait3A_580 : memref<!tpu.dma_semaphore, #tpu.memory_space<semaphore_mem>>) src(%dma_wait3A_587 : memref<2048x1024xf32, #tpu.memory_space<vmem>>) dst(%dma_wait3A_583 : memref<2048x1024xf32, #tpu.memory_space<any>>)
    %dma_start3A_588 = arith.constant 3 : i32
    %dma_start3A_589 = arith.constant 3 : i32
    %dma_start3A_590 = tpu.memref_slice %arg4[%dma_start3A_589] : memref<4x!tpu.dma_semaphore, #tpu.memory_space<semaphore_mem>> -> memref<1x!tpu.dma_semaphore, #tpu.memory_space<semaphore_mem>>
    %dma_start3A_591 = tpu.memref_squeeze %dma_start3A_590 : memref<1x!tpu.dma_semaphore, #tpu.memory_space<semaphore_mem>> -> memref<!tpu.dma_semaphore, #tpu.memory_space<semaphore_mem>>
    %dma_start3A_592 = arith.constant 0 : i32
    %dma_start3A_593 = arith.constant 0 : i32
    %dma_start3A_594 = tpu.memref_slice %arg3[%dma_start3A_588, %dma_start3A_592, %dma_start3A_593] : memref<4x2048x1024xf32, #tpu.memory_space<vmem>> -> memref<1x2048x1024xf32, #tpu.memory_space<vmem>>
    %dma_start3A_595 = tpu.memref_squeeze %dma_start3A_594 : memref<1x2048x1024xf32, #tpu.memory_space<vmem>> -> memref<2048x1024xf32, #tpu.memory_space<vmem>>
    %dma_start3A_596 = arith.constant 30720 : i32
    %dma_start3A_597 = arith.constant 0 : i32
    %dma_start3A_598 = tpu.memref_slice %arg0[%dma_start3A_596, %dma_start3A_597] : memref<32768x1024xf32, #tpu.memory_space<any>> -> memref<2048x1024xf32, #tpu.memory_space<any>>
    tpu.enqueue_dma source(%dma_start3A_598 : memref<2048x1024xf32, #tpu.memory_space<any>>) target(%dma_start3A_595 : memref<2048x1024xf32, #tpu.memory_space<vmem>>) target_semaphore(%dma_start3A_591 : memref<!tpu.dma_semaphore, #tpu.memory_space<semaphore_mem>>)
    %dma_wait3A_599 = arith.constant 1 : i32
    %dma_wait3A_600 = arith.constant 1 : i32
    %dma_wait3A_601 = tpu.memref_slice %arg4[%dma_wait3A_600] : memref<4x!tpu.dma_semaphore, #tpu.memory_space<semaphore_mem>> -> memref<1x!tpu.dma_semaphore, #tpu.memory_space<semaphore_mem>>
    %dma_wait3A_602 = tpu.memref_squeeze %dma_wait3A_601 : memref<1x!tpu.dma_semaphore, #tpu.memory_space<semaphore_mem>> -> memref<!tpu.dma_semaphore, #tpu.memory_space<semaphore_mem>>
    %dma_wait3A_603 = arith.constant 0 : i32
    %dma_wait3A_604 = arith.constant 0 : i32
    %dma_wait3A_605 = tpu.memref_slice %arg3[%dma_wait3A_599, %dma_wait3A_603, %dma_wait3A_604] : memref<4x2048x1024xf32, #tpu.memory_space<vmem>> -> memref<1x2048x1024xf32, #tpu.memory_space<vmem>>
    %dma_wait3A_606 = tpu.memref_squeeze %dma_wait3A_605 : memref<1x2048x1024xf32, #tpu.memory_space<vmem>> -> memref<2048x1024xf32, #tpu.memory_space<vmem>>
    %dma_wait3A_607 = arith.constant 26624 : i32
    %dma_wait3A_608 = arith.constant 0 : i32
    %dma_wait3A_609 = tpu.memref_slice %arg0[%dma_wait3A_607, %dma_wait3A_608] : memref<32768x1024xf32, #tpu.memory_space<any>> -> memref<2048x1024xf32, #tpu.memory_space<any>>
    tpu.wait_dma2 semaphore(%dma_wait3A_602 : memref<!tpu.dma_semaphore, #tpu.memory_space<semaphore_mem>>) src(%dma_wait3A_609 : memref<2048x1024xf32, #tpu.memory_space<any>>) dst(%dma_wait3A_606 : memref<2048x1024xf32, #tpu.memory_space<vmem>>)
    %dma_start3A_610 = arith.constant 1 : i32
    %dma_start3A_611 = arith.constant 1 : i32
    %dma_start3A_612 = tpu.memref_slice %arg5[%dma_start3A_611] : memref<4x!tpu.dma_semaphore, #tpu.memory_space<semaphore_mem>> -> memref<1x!tpu.dma_semaphore, #tpu.memory_space<semaphore_mem>>
    %dma_start3A_613 = tpu.memref_squeeze %dma_start3A_612 : memref<1x!tpu.dma_semaphore, #tpu.memory_space<semaphore_mem>> -> memref<!tpu.dma_semaphore, #tpu.memory_space<semaphore_mem>>
    %dma_start3A_614 = arith.constant 26624 : i32
    %dma_start3A_615 = arith.constant 0 : i32
    %dma_start3A_616 = tpu.memref_slice %arg2[%dma_start3A_614, %dma_start3A_615] : memref<32768x1024xf32, #tpu.memory_space<any>> -> memref<2048x1024xf32, #tpu.memory_space<any>>
    %dma_start3A_617 = arith.constant 0 : i32
    %dma_start3A_618 = arith.constant 0 : i32
    %dma_start3A_619 = tpu.memref_slice %arg3[%dma_start3A_610, %dma_start3A_617, %dma_start3A_618] : memref<4x2048x1024xf32, #tpu.memory_space<vmem>> -> memref<1x2048x1024xf32, #tpu.memory_space<vmem>>
    %dma_start3A_620 = tpu.memref_squeeze %dma_start3A_619 : memref<1x2048x1024xf32, #tpu.memory_space<vmem>> -> memref<2048x1024xf32, #tpu.memory_space<vmem>>
    tpu.enqueue_dma source(%dma_start3A_620 : memref<2048x1024xf32, #tpu.memory_space<vmem>>) target(%dma_start3A_616 : memref<2048x1024xf32, #tpu.memory_space<any>>) target_semaphore(%dma_start3A_613 : memref<!tpu.dma_semaphore, #tpu.memory_space<semaphore_mem>>)
    %dma_wait3A_621 = arith.constant 2 : i32
    %dma_wait3A_622 = arith.constant 2 : i32
    %dma_wait3A_623 = tpu.memref_slice %arg4[%dma_wait3A_622] : memref<4x!tpu.dma_semaphore, #tpu.memory_space<semaphore_mem>> -> memref<1x!tpu.dma_semaphore, #tpu.memory_space<semaphore_mem>>
    %dma_wait3A_624 = tpu.memref_squeeze %dma_wait3A_623 : memref<1x!tpu.dma_semaphore, #tpu.memory_space<semaphore_mem>> -> memref<!tpu.dma_semaphore, #tpu.memory_space<semaphore_mem>>
    %dma_wait3A_625 = arith.constant 0 : i32
    %dma_wait3A_626 = arith.constant 0 : i32
    %dma_wait3A_627 = tpu.memref_slice %arg3[%dma_wait3A_621, %dma_wait3A_625, %dma_wait3A_626] : memref<4x2048x1024xf32, #tpu.memory_space<vmem>> -> memref<1x2048x1024xf32, #tpu.memory_space<vmem>>
    %dma_wait3A_628 = tpu.memref_squeeze %dma_wait3A_627 : memref<1x2048x1024xf32, #tpu.memory_space<vmem>> -> memref<2048x1024xf32, #tpu.memory_space<vmem>>
    %dma_wait3A_629 = arith.constant 28672 : i32
    %dma_wait3A_630 = arith.constant 0 : i32
    %dma_wait3A_631 = tpu.memref_slice %arg0[%dma_wait3A_629, %dma_wait3A_630] : memref<32768x1024xf32, #tpu.memory_space<any>> -> memref<2048x1024xf32, #tpu.memory_space<any>>
    tpu.wait_dma2 semaphore(%dma_wait3A_624 : memref<!tpu.dma_semaphore, #tpu.memory_space<semaphore_mem>>) src(%dma_wait3A_631 : memref<2048x1024xf32, #tpu.memory_space<any>>) dst(%dma_wait3A_628 : memref<2048x1024xf32, #tpu.memory_space<vmem>>)
    %dma_start3A_632 = arith.constant 2 : i32
    %dma_start3A_633 = arith.constant 2 : i32
    %dma_start3A_634 = tpu.memref_slice %arg5[%dma_start3A_633] : memref<4x!tpu.dma_semaphore, #tpu.memory_space<semaphore_mem>> -> memref<1x!tpu.dma_semaphore, #tpu.memory_space<semaphore_mem>>
    %dma_start3A_635 = tpu.memref_squeeze %dma_start3A_634 : memref<1x!tpu.dma_semaphore, #tpu.memory_space<semaphore_mem>> -> memref<!tpu.dma_semaphore, #tpu.memory_space<semaphore_mem>>
    %dma_start3A_636 = arith.constant 28672 : i32
    %dma_start3A_637 = arith.constant 0 : i32
    %dma_start3A_638 = tpu.memref_slice %arg2[%dma_start3A_636, %dma_start3A_637] : memref<32768x1024xf32, #tpu.memory_space<any>> -> memref<2048x1024xf32, #tpu.memory_space<any>>
    %dma_start3A_639 = arith.constant 0 : i32
    %dma_start3A_640 = arith.constant 0 : i32
    %dma_start3A_641 = tpu.memref_slice %arg3[%dma_start3A_632, %dma_start3A_639, %dma_start3A_640] : memref<4x2048x1024xf32, #tpu.memory_space<vmem>> -> memref<1x2048x1024xf32, #tpu.memory_space<vmem>>
    %dma_start3A_642 = tpu.memref_squeeze %dma_start3A_641 : memref<1x2048x1024xf32, #tpu.memory_space<vmem>> -> memref<2048x1024xf32, #tpu.memory_space<vmem>>
    tpu.enqueue_dma source(%dma_start3A_642 : memref<2048x1024xf32, #tpu.memory_space<vmem>>) target(%dma_start3A_638 : memref<2048x1024xf32, #tpu.memory_space<any>>) target_semaphore(%dma_start3A_635 : memref<!tpu.dma_semaphore, #tpu.memory_space<semaphore_mem>>)
    %dma_wait3A_643 = arith.constant 3 : i32
    %dma_wait3A_644 = arith.constant 3 : i32
    %dma_wait3A_645 = tpu.memref_slice %arg4[%dma_wait3A_644] : memref<4x!tpu.dma_semaphore, #tpu.memory_space<semaphore_mem>> -> memref<1x!tpu.dma_semaphore, #tpu.memory_space<semaphore_mem>>
    %dma_wait3A_646 = tpu.memref_squeeze %dma_wait3A_645 : memref<1x!tpu.dma_semaphore, #tpu.memory_space<semaphore_mem>> -> memref<!tpu.dma_semaphore, #tpu.memory_space<semaphore_mem>>
    %dma_wait3A_647 = arith.constant 0 : i32
    %dma_wait3A_648 = arith.constant 0 : i32
    %dma_wait3A_649 = tpu.memref_slice %arg3[%dma_wait3A_643, %dma_wait3A_647, %dma_wait3A_648] : memref<4x2048x1024xf32, #tpu.memory_space<vmem>> -> memref<1x2048x1024xf32, #tpu.memory_space<vmem>>
    %dma_wait3A_650 = tpu.memref_squeeze %dma_wait3A_649 : memref<1x2048x1024xf32, #tpu.memory_space<vmem>> -> memref<2048x1024xf32, #tpu.memory_space<vmem>>
    %dma_wait3A_651 = arith.constant 30720 : i32
    %dma_wait3A_652 = arith.constant 0 : i32
    %dma_wait3A_653 = tpu.memref_slice %arg0[%dma_wait3A_651, %dma_wait3A_652] : memref<32768x1024xf32, #tpu.memory_space<any>> -> memref<2048x1024xf32, #tpu.memory_space<any>>
    tpu.wait_dma2 semaphore(%dma_wait3A_646 : memref<!tpu.dma_semaphore, #tpu.memory_space<semaphore_mem>>) src(%dma_wait3A_653 : memref<2048x1024xf32, #tpu.memory_space<any>>) dst(%dma_wait3A_650 : memref<2048x1024xf32, #tpu.memory_space<vmem>>)
    %dma_start3A_654 = arith.constant 3 : i32
    %dma_start3A_655 = arith.constant 3 : i32
    %dma_start3A_656 = tpu.memref_slice %arg5[%dma_start3A_655] : memref<4x!tpu.dma_semaphore, #tpu.memory_space<semaphore_mem>> -> memref<1x!tpu.dma_semaphore, #tpu.memory_space<semaphore_mem>>
    %dma_start3A_657 = tpu.memref_squeeze %dma_start3A_656 : memref<1x!tpu.dma_semaphore, #tpu.memory_space<semaphore_mem>> -> memref<!tpu.dma_semaphore, #tpu.memory_space<semaphore_mem>>
    %dma_start3A_658 = arith.constant 30720 : i32
    %dma_start3A_659 = arith.constant 0 : i32
    %dma_start3A_660 = tpu.memref_slice %arg2[%dma_start3A_658, %dma_start3A_659] : memref<32768x1024xf32, #tpu.memory_space<any>> -> memref<2048x1024xf32, #tpu.memory_space<any>>
    %dma_start3A_661 = arith.constant 0 : i32
    %dma_start3A_662 = arith.constant 0 : i32
    %dma_start3A_663 = tpu.memref_slice %arg3[%dma_start3A_654, %dma_start3A_661, %dma_start3A_662] : memref<4x2048x1024xf32, #tpu.memory_space<vmem>> -> memref<1x2048x1024xf32, #tpu.memory_space<vmem>>
    %dma_start3A_664 = tpu.memref_squeeze %dma_start3A_663 : memref<1x2048x1024xf32, #tpu.memory_space<vmem>> -> memref<2048x1024xf32, #tpu.memory_space<vmem>>
    tpu.enqueue_dma source(%dma_start3A_664 : memref<2048x1024xf32, #tpu.memory_space<vmem>>) target(%dma_start3A_660 : memref<2048x1024xf32, #tpu.memory_space<any>>) target_semaphore(%dma_start3A_657 : memref<!tpu.dma_semaphore, #tpu.memory_space<semaphore_mem>>)
    %dma_wait3A_665 = arith.constant 0 : i32
    %dma_wait3A_666 = arith.constant 0 : i32
    %dma_wait3A_667 = tpu.memref_slice %arg5[%dma_wait3A_666] : memref<4x!tpu.dma_semaphore, #tpu.memory_space<semaphore_mem>> -> memref<1x!tpu.dma_semaphore, #tpu.memory_space<semaphore_mem>>
    %dma_wait3A_668 = tpu.memref_squeeze %dma_wait3A_667 : memref<1x!tpu.dma_semaphore, #tpu.memory_space<semaphore_mem>> -> memref<!tpu.dma_semaphore, #tpu.memory_space<semaphore_mem>>
    %dma_wait3A_669 = arith.constant 24576 : i32
    %dma_wait3A_670 = arith.constant 0 : i32
    %dma_wait3A_671 = tpu.memref_slice %arg2[%dma_wait3A_669, %dma_wait3A_670] : memref<32768x1024xf32, #tpu.memory_space<any>> -> memref<2048x1024xf32, #tpu.memory_space<any>>
    %dma_wait3A_672 = arith.constant 0 : i32
    %dma_wait3A_673 = arith.constant 0 : i32
    %dma_wait3A_674 = tpu.memref_slice %arg3[%dma_wait3A_665, %dma_wait3A_672, %dma_wait3A_673] : memref<4x2048x1024xf32, #tpu.memory_space<vmem>> -> memref<1x2048x1024xf32, #tpu.memory_space<vmem>>
    %dma_wait3A_675 = tpu.memref_squeeze %dma_wait3A_674 : memref<1x2048x1024xf32, #tpu.memory_space<vmem>> -> memref<2048x1024xf32, #tpu.memory_space<vmem>>
    tpu.wait_dma2 semaphore(%dma_wait3A_668 : memref<!tpu.dma_semaphore, #tpu.memory_space<semaphore_mem>>) src(%dma_wait3A_675 : memref<2048x1024xf32, #tpu.memory_space<vmem>>) dst(%dma_wait3A_671 : memref<2048x1024xf32, #tpu.memory_space<any>>)
    %dma_wait3A_676 = arith.constant 1 : i32
    %dma_wait3A_677 = arith.constant 1 : i32
    %dma_wait3A_678 = tpu.memref_slice %arg5[%dma_wait3A_677] : memref<4x!tpu.dma_semaphore, #tpu.memory_space<semaphore_mem>> -> memref<1x!tpu.dma_semaphore, #tpu.memory_space<semaphore_mem>>
    %dma_wait3A_679 = tpu.memref_squeeze %dma_wait3A_678 : memref<1x!tpu.dma_semaphore, #tpu.memory_space<semaphore_mem>> -> memref<!tpu.dma_semaphore, #tpu.memory_space<semaphore_mem>>
    %dma_wait3A_680 = arith.constant 26624 : i32
    %dma_wait3A_681 = arith.constant 0 : i32
    %dma_wait3A_682 = tpu.memref_slice %arg2[%dma_wait3A_680, %dma_wait3A_681] : memref<32768x1024xf32, #tpu.memory_space<any>> -> memref<2048x1024xf32, #tpu.memory_space<any>>
    %dma_wait3A_683 = arith.constant 0 : i32
    %dma_wait3A_684 = arith.constant 0 : i32
    %dma_wait3A_685 = tpu.memref_slice %arg3[%dma_wait3A_676, %dma_wait3A_683, %dma_wait3A_684] : memref<4x2048x1024xf32, #tpu.memory_space<vmem>> -> memref<1x2048x1024xf32, #tpu.memory_space<vmem>>
    %dma_wait3A_686 = tpu.memref_squeeze %dma_wait3A_685 : memref<1x2048x1024xf32, #tpu.memory_space<vmem>> -> memref<2048x1024xf32, #tpu.memory_space<vmem>>
    tpu.wait_dma2 semaphore(%dma_wait3A_679 : memref<!tpu.dma_semaphore, #tpu.memory_space<semaphore_mem>>) src(%dma_wait3A_686 : memref<2048x1024xf32, #tpu.memory_space<vmem>>) dst(%dma_wait3A_682 : memref<2048x1024xf32, #tpu.memory_space<any>>)
    %dma_wait3A_687 = arith.constant 2 : i32
    %dma_wait3A_688 = arith.constant 2 : i32
    %dma_wait3A_689 = tpu.memref_slice %arg5[%dma_wait3A_688] : memref<4x!tpu.dma_semaphore, #tpu.memory_space<semaphore_mem>> -> memref<1x!tpu.dma_semaphore, #tpu.memory_space<semaphore_mem>>
    %dma_wait3A_690 = tpu.memref_squeeze %dma_wait3A_689 : memref<1x!tpu.dma_semaphore, #tpu.memory_space<semaphore_mem>> -> memref<!tpu.dma_semaphore, #tpu.memory_space<semaphore_mem>>
    %dma_wait3A_691 = arith.constant 28672 : i32
    %dma_wait3A_692 = arith.constant 0 : i32
    %dma_wait3A_693 = tpu.memref_slice %arg2[%dma_wait3A_691, %dma_wait3A_692] : memref<32768x1024xf32, #tpu.memory_space<any>> -> memref<2048x1024xf32, #tpu.memory_space<any>>
    %dma_wait3A_694 = arith.constant 0 : i32
    %dma_wait3A_695 = arith.constant 0 : i32
    %dma_wait3A_696 = tpu.memref_slice %arg3[%dma_wait3A_687, %dma_wait3A_694, %dma_wait3A_695] : memref<4x2048x1024xf32, #tpu.memory_space<vmem>> -> memref<1x2048x1024xf32, #tpu.memory_space<vmem>>
    %dma_wait3A_697 = tpu.memref_squeeze %dma_wait3A_696 : memref<1x2048x1024xf32, #tpu.memory_space<vmem>> -> memref<2048x1024xf32, #tpu.memory_space<vmem>>
    tpu.wait_dma2 semaphore(%dma_wait3A_690 : memref<!tpu.dma_semaphore, #tpu.memory_space<semaphore_mem>>) src(%dma_wait3A_697 : memref<2048x1024xf32, #tpu.memory_space<vmem>>) dst(%dma_wait3A_693 : memref<2048x1024xf32, #tpu.memory_space<any>>)
    %dma_wait3A_698 = arith.constant 3 : i32
    %dma_wait3A_699 = arith.constant 3 : i32
    %dma_wait3A_700 = tpu.memref_slice %arg5[%dma_wait3A_699] : memref<4x!tpu.dma_semaphore, #tpu.memory_space<semaphore_mem>> -> memref<1x!tpu.dma_semaphore, #tpu.memory_space<semaphore_mem>>
    %dma_wait3A_701 = tpu.memref_squeeze %dma_wait3A_700 : memref<1x!tpu.dma_semaphore, #tpu.memory_space<semaphore_mem>> -> memref<!tpu.dma_semaphore, #tpu.memory_space<semaphore_mem>>
    %dma_wait3A_702 = arith.constant 30720 : i32
    %dma_wait3A_703 = arith.constant 0 : i32
    %dma_wait3A_704 = tpu.memref_slice %arg2[%dma_wait3A_702, %dma_wait3A_703] : memref<32768x1024xf32, #tpu.memory_space<any>> -> memref<2048x1024xf32, #tpu.memory_space<any>>
    %dma_wait3A_705 = arith.constant 0 : i32
    %dma_wait3A_706 = arith.constant 0 : i32
    %dma_wait3A_707 = tpu.memref_slice %arg3[%dma_wait3A_698, %dma_wait3A_705, %dma_wait3A_706] : memref<4x2048x1024xf32, #tpu.memory_space<vmem>> -> memref<1x2048x1024xf32, #tpu.memory_space<vmem>>
    %dma_wait3A_708 = tpu.memref_squeeze %dma_wait3A_707 : memref<1x2048x1024xf32, #tpu.memory_space<vmem>> -> memref<2048x1024xf32, #tpu.memory_space<vmem>>
    tpu.wait_dma2 semaphore(%dma_wait3A_701 : memref<!tpu.dma_semaphore, #tpu.memory_space<semaphore_mem>>) src(%dma_wait3A_708 : memref<2048x1024xf32, #tpu.memory_space<vmem>>) dst(%dma_wait3A_704 : memref<2048x1024xf32, #tpu.memory_space<any>>)
    return
  }
}

</mosaic_0001>

<sc_bundles>
// kernel: kernel.4.cloned.1.call-start
scs
__scs_entry_jumppad:
0x0: {  	(pc) =	sbr.rel $0x88, $3  }
0x1: {  	(tag) =	ssettag $0x0;
	lr =	simm.s32 $0x1  }
0x2: {  	[smem:$0x3F9F] =	sst lr;
	_ =	strace $0xD0000000  }
0x3: {  	_ = 	snop  }
0x4: {  	_ = 	snop  }
0x5: {  	_ = 	snop  }
0x6: {  	_ = 	snop  }
0x7: {  	_ = 	snop  }
__scs_overlays_trampoline_lowered:
0x8: {  	[smem:$0x3FAE] =	sst s0  }
0x9: {  	[smem:$0x3FAF] =	sst s1  }
0xa: {  	[smem:$0x3FB0] =	sst s2  }
0xb: {  	[smem:$0x3FB1] =	sst s3  }
0xc: {  	[smem:$0x3FB2] =	sst s4  }
0xd: {  	[smem:$0x3FB3] =	sst s5  }
0xe: {  	[smem:$0x3FB4] =	sst s6  }
0xf: {  	[smem:$0x3FB5] =	sst s7  }
0x10: {  	[smem:$0x3FB6] =	sst s8  }
0x11: {  	[smem:$0x3FB7] =	sst s9;
	s0 =	simm.s32 @!p0 $0x0  }
0x12: {  	s1 =	sld [smem:$0x3F9D];
	s0 =	simm.s32 @p0 $0x1  }
0x13: {  	[smem:$0x3FB8] =	sst s0;
	s0 =	simm.s32 @!p1 $0x0  }
0x14: {  	s2 =	sld [smem:$0x3F9C];
	s0 =	simm.s32 @p1 $0x1  }
0x15: {  	[smem:$0x3FB9] =	sst s0;
	s0 =	simm.s32 @!p2 $0x0  }
0x16: {  	s3 =	sld [smem:$0x3FDB];
	s0 =	simm.s32 @p2 $0x1  }
0x17: {  	s4 =	simm.s32 $0x1BF5;
	[smem:$0x3FBB] =	sst s0  }
0x18: {  	s0 =	sld [smem:$0x3F9E];
	_ =	swait.ge [sflag:s4], $0x0  }
0x19: {  	s7 =	sld [smem:$0x3F9F]  }
0x1a: {  	s8 =	sadd.s32 $0xFFFFE003, lr  }
0x1b: {  	s9 =	sadd.s32 $0xFFFFFEF7, lr;
	s5 =	simm.s32 $0xFFFFFFFF;
	p2 =	slt.u32 s8, $0xFFFFF086  }
0x1c: {  	p1 =	slt.u32 s9, $0xF7A;
	s5 =	simm.s32 @!p2 $0x0  }
0x1d: {  	s5 =	simm.s32 @p1 $0x1;
	p0 =	seq.s32 s7, s2  }
0x1e: {  	s7 =	smul.u32 @!p0 $0xF7A, s2;
	p2 =	seq.s32 @!p0 s5, $0x0  }
0x1f: {  	s9 =	smul.u32 $0xF7A, s1;
	s8 =	simm.s32 @!p0 $0x1BF5;
	p2 =	por !p2, p0  }
0x20: {  	[sflag:s8] =	ssyncset.s32 @!p0 $0xFFFFF086;
	s6 =	sadd.s32 @!p0 s3, s7;
	s7 =	simm.s32 @!p0 $0x108  }
0x21: {  	s3 =	sadd.s32 s3, s9;
	s6 =	sadd.s32 @!p0 $0x88, s6;
	s7 =	simm.s32 @p2 $0x1082  }
0x22: {  	[simem:s7], [sflag:s8] =	dma.local @!p0 [hbm:s6], $0xF7A  }
0x23: {  	s9 =	sor.u32 $0xD0000000, s2;
	s6 =	simm.s32 $0x108;
	_ =	swait.ge @!p0 [sflag:s8], $0x0  }
0x24: {  	s3 =	sadd.s32 $0x88, s3;
	s6 =	simm.s32 @!p1 $0x1082;
	[sflag:s4] =	ssyncset.s32 $0xFFFFF086  }
0x25: {  	[simem:s6], [sflag:s4] =	dma.local [hbm:s3], $0xF7A  }
0x26: {  	[smem:$0x3F9F] =	sst s1;
	(tag) =	ssettag s2;
	_ =	strace s9  }
0x27: {  	s1 =	sld [smem:$0x3FAF]  }
0x28: {  	s2 =	sld [smem:$0x3FB0]  }
0x29: {  	s4 =	sld [smem:$0x3FB2]  }
0x2a: {  	p0 =	seq.s32 s5, $0x0;
	s5 =	sld [smem:$0x3FB3]  }
0x2b: {  	s6 =	sld [smem:$0x3FB4]  }
0x2c: {  	s7 =	sld [smem:$0x3FB5]  }
0x2d: {  	s3 =	simm.s32 $0x108;
	s8 =	sld [smem:$0x3FB6]  }
0x2e: {  	s3 =	simm.s32 @!p0 $0x1082;
	s9 =	sld [smem:$0x3FB7]  }
0x2f: {  	lr =	sadd.s32 s0, s3;
	s0 =	sld [smem:$0x3FAE]  }
0x30: {  	s3 =	sld [smem:$0x3FB1]  }
0x31: {  	[smem:$0x3FBA] =	sst s10  }
0x32: {  	s10 =	sld [smem:$0x3FB8];
	_ =	sdelay $0x3  }
0x33: {  	p0 =	seq.s32 s10, $0x1;
	s10 =	sld [smem:$0x3FBA];
	_ =	sdelay $0x3  }
0x34: {  	[smem:$0x3FBA] =	sst s10  }
0x35: {  	s10 =	sld [smem:$0x3FB9];
	_ =	sdelay $0x3  }
0x36: {  	p1 =	seq.s32 s10, $0x1;
	s10 =	sld [smem:$0x3FBA];
	_ =	sdelay $0x3  }
0x37: {  	[smem:$0x3FBA] =	sst s10  }
0x38: {  	s10 =	sld [smem:$0x3FBB]  }
0x39: {  	_ = 	snop;
	(pc) =	sbr.ind lr, $3  }
0x3a: {  	_ = 	snop  }
0x3b: {  	_ = 	snop  }
0x3c: {  	p2 =	seq.s32 s10, $0x1;
	s10 =	sld [smem:$0x3FBA]  }
0x3d: {  	_ =	shalt  }
0x3e: {  	_ =	shalt  }
0x3f: {  	_ =	shalt  }
0x40: {  	_ =	shalt  }
0x41: {  	_ =	shalt  }
0x42: {  	_ =	shalt  }
0x43: {  	_ =	shalt  }
0x44: {  	_ =	shalt  }
0x45: {  	_ =	shalt  }
0x46: {  	_ =	shalt  }
0x47: {  	_ =	shalt  }
0x48: {  	_ =	shalt  }
0x49: {  	_ =	shalt  }
0x4a: {  	_ =	shalt  }
0x4b: {  	_ =	shalt  }
0x4c: {  	_ =	shalt  }
0x4d: {  	_ =	shalt  }
0x4e: {  	_ =	shalt  }
0x4f: {  	_ =	shalt  }
0x50: {  	_ =	shalt  }
0x51: {  	_ =	shalt  }
0x52: {  	_ =	shalt  }
0x53: {  	_ =	shalt  }
0x54: {  	_ =	shalt  }
0x55: {  	_ =	shalt  }
0x56: {  	_ =	shalt  }
0x57: {  	_ =	shalt  }
0x58: {  	_ =	shalt  }
0x59: {  	_ =	shalt  }
0x5a: {  	_ =	shalt  }
0x5b: {  	_ =	shalt  }
0x5c: {  	_ =	shalt  }
0x5d: {  	_ =	shalt  }
0x5e: {  	_ =	shalt  }
0x5f: {  	_ =	shalt  }
0x60: {  	_ =	shalt  }
0x61: {  	_ =	shalt  }
0x62: {  	_ =	shalt  }
0x63: {  	_ =	shalt  }
0x64: {  	_ =	shalt  }
0x65: {  	_ =	shalt  }
0x66: {  	_ =	shalt  }
0x67: {  	_ =	shalt  }
0x68: {  	_ =	shalt  }
0x69: {  	_ =	shalt  }
0x6a: {  	_ =	shalt  }
0x6b: {  	_ =	shalt  }
0x6c: {  	_ =	shalt  }
0x6d: {  	_ =	shalt  }
0x6e: {  	_ =	shalt  }
0x6f: {  	_ =	shalt  }
0x70: {  	_ =	shalt  }
0x71: {  	_ =	shalt  }
0x72: {  	_ =	shalt  }
0x73: {  	_ =	shalt  }
0x74: {  	_ =	shalt  }
0x75: {  	_ =	shalt  }
0x76: {  	_ =	shalt  }
0x77: {  	_ =	shalt  }
0x78: {  	_ =	shalt  }
0x79: {  	_ =	shalt  }
0x7a: {  	_ =	shalt  }
0x7b: {  	_ =	shalt  }
0x7c: {  	_ =	shalt  }
0x7d: {  	_ =	shalt  }
0x7e: {  	_ =	shalt  }
0x7f: {  	_ =	shalt  }
0x80: {  	_ =	shalt  }
0x81: {  	_ =	shalt  }
0x82: {  	_ =	shalt  }
0x83: {  	_ =	shalt  }
0x84: {  	_ =	shalt  }
0x85: {  	_ =	shalt  }
0x86: {  	_ =	shalt  }
0x87: {  	_ =	shalt  }
.Lfunc_end0:
.L_simem_size_0:
called_computation_lowered:
.L_overlay_start_0:
0x88: {  	s2 =	sld [smem:$0x3FD9]  }
0x89: {  	s3 =	sld [smem:$0x3FFE];
	_ =	sdelay $0x1  }
0x8a: {  	s1 =	srdreg.scid  }
0x8b: {  	s0 =	sand.u32 $0x1, s1  }
0x8c: {  	s14 =	sshll.u32 s0, $0xA;
	s2 =	sadd.s32 s3, s2  }
0x8d: {  	s2 =	sadd.s32 s2, s14  }
0x8e: {  	[smem:$0x3FC6] =	sst s2  }
0x8f: {  	_ = 	snop  }
0x90: {  	s2 =	sld [smem:$0x3FD0];
	_ =	sdelay $0x2  }
0x91: {  	s4 =	simm.s32 $0xA;
	s5 =	simm.s32 $0x10;
	s15 =	sld [smem:$0x3FC8]  }
0x92: {  	[smem:s5], [sflag:s4] =	dma.local [hbm:s2], $0x1  }
0x93: {  	_ =	swait.eq [sflag:s4], $0x1  }
0x94: {  	[sflag:s4] =	ssyncset.done $0x0  }
0x95: {  	[sflag:s4] =	ssyncadd.s32 $0xFFFFFFFF  }
0x96: {  	s16 =	sld [smem:$0x11];
	(tm) =	ssettm $0x1  }
0x97: {  	s17 =	sld [smem:$0x3FFB];
	_ =	sdelay $0x3  }
0x98: {  	_ =	strace s17  }
0x99: {  	s4 =	sld [smem:$0x3FFC];
	_ =	sdelay $0x3  }
0x9a: {  	_ =	strace s4  }
0x9b: {  	s4 =	sld [smem:$0x3FFD];
	_ =	sdelay $0x3  }
0x9c: {  	_ =	strace s4  }
0x9d: {  	_ =	strace $0x8FFFFFFF  }
0x9e: {  	s18 =	sld [smem:$0x3FDB];
	_ =	sdelay $0x1  }
0x9f: {  	s19 =	simm.s32 $_scs_section_size  }
0xa0: {  	s6 =	simm.s32 $_size__tile_overlayer_lowered;
	s7 =	simm.s32 $_tile_overlayer_lowered  }
0xa1: {  	s22 =	simm.s32 $0x1BFF;
	s21 =	sshll.u32 s7, $0x1;
	s4 =	sadd.s32 s19, s18  }
0xa2: {  	s8 =	simm.s32 $0x0;
	s20 =	sshll.u32 s6, $0x1;
	s6 =	sadd.s32 s21, s4  }
0xa3: {  	[timem:s8], [sflag:s22] =	dma.local [hbm:s6], s20  }
0xa4: {  	_ =	swait.ge [sflag:s22], s20  }
0xa5: {  	s5 =	ssub.s32 $0x0, s20;
	[sflag:s22] =	ssyncset.done $0x0  }
0xa6: {  	[sflag:s22] =	ssyncadd.s32 s5;
	_ =	sdelay $0x1  }
0xa7: {  	s23 =	simm.s32 $0x1B8B  }
0xa8: {  	_ =	swait.ge [sflag:s23], $0x1  }
0xa9: {  	[sflag:s23] =	ssyncset.done $0x0  }
0xaa: {  	s25 =	simm.s32 $0x1B8E;
	s24 =	sld [smem:$0x3FFE];
	[sflag:s23] =	ssyncadd.s32 $0xFFFFFFFF  }
0xab: {  	s26 =	simm.s32 $execute0_lowered;
	[smem:$0x3FD2] =	sst s25  }
0xac: {  	s6 =	sshll.u32 s26, $0x1;
	_ =	strace $0x80000046;
	[dreg:$0x1] =	wrdreg $0xFFFFFFFF  }
0xad: {  	s28 =	simm.s32 $_size_execute0_lowered;
	s4 =	sadd.s32 s4, s6;
	[dreg:$0x0] =	wrdreg $0x0  }
0xae: {  	s6 =	sshll.u32 s28, $0x1;
	[dreg:$0x2] =	wrdreg s4  }
0xaf: {  	[dreg:$0x3] =	wrdreg s6  }
0xb0: {  	[dreg:$0x4] =	wrdreg $0xC0  }
0xb1: {  	_ =	task [dreg:s8], $0x5FFFF  }
0xb2: {  	[dreg:$0x1] =	wrdreg $0xFFFFFFFF  }
0xb3: {  	[dreg:$0x0] =	wrdreg $0x60  }
0xb4: {  	[dreg:$0x2] =	wrdreg s24  }
0xb5: {  	[dreg:$0x3] =	wrdreg s15  }
0xb6: {  	[dreg:$0x4] =	wrdreg s16  }
0xb7: {  	[dreg:$0x5] =	wrdreg $0x9  }
0xb8: {  	_ =	task.clear_ibuf [dreg:s8], $0x6FFFF;
	_ =	strace $0x90000046  }
0xb9: {  	s29 =	simm.s32 $0x9;
	_ =	strace $0x80000048  }
0xba: {  	_ =	swait.ge [sflag:s29], $0x1  }
0xbb: {  	[sflag:s29] =	ssyncadd.s32 $0xFFFFFFFF  }
0xbc: {  	_ =	strace $0x90000048  }
0xbd: {  	_ =	sfence  }
0xbe: {  	s30 =	sld [smem:$0x0];
	_ =	sdelay $0x2  }
0xbf: {  	s31 =	sshll.u32 s1, $0xD;
	s1 =	sshrl.u32 s1, $0x2  }
0xc0: {  	s3 =	sand.u32 $0x4000, s31;
	s1 =	sadd.s32 s1, s30  }
0xc1: {  	s0 =	sor.u32 s3, s0;
	s1 =	sshll.u32 s1, $0x11  }
0xc2: {  	s0 =	sor.u32 s1, s0  }
0xc3: {  	s0 =	sadd.s32 $0x8F2B, s0  }
0xc4: {  	[sflag:s0] =	ssyncadd.remote.s32 $0x1  }
0xc5: {  	_ =	sfence.sel $0xFFFF  }
0xc6: {  	[dreg:$0x0] =	wrdreg $0xFFFFFFFF;
	(pc) =	sbr.abs _section_cstart, $3  }
0xc7: {  	[dreg:$0x1] =	wrdreg $0xFFFFFFFF  }
0xc8: {  	_ =	task.clear_ibuf [dreg:s8], $0x2FFFF;
	_ =	strace $0x9FFFFFFF  }
0xc9: {  	(tm) =	ssettm $0x7FFFFFFF  }
tec
execute0_lowered:
.L_overlay_start_1:
0x0: {  	(tag) =	ssettag $0x1  }
0x1: {  	s0 =	srdreg.scid  }
0x2: {  	s1 =	stileid.u32;
	s8 =	sand.u32 $0x1, s0  }
0x3: {  	s5 =	sor.u32 s1, s8  }
0x4: {  	p0 =	sne.s32 s5, $0x0  }
.Ltmp0:
0x5: {  	s4 =	rddreg [dreg:$0x0];
	(pc) =	sbr.rel @p0 .LBB2_4-.Ltmp0, $4  }
0x6: {  	s7 =	rddreg [dreg:$0x1]  }
0x7: {  	s2 =	rddreg [dreg:$0x2];
	s3 =	simm.s32 $0x0  }
0x8: {  	[smem:$0x7FF] =	sst s3  }
0x9: {  	s0 =	rddreg [dreg:$0x3];
	_ =	strace $0x80000047  }
0xa: {  	s4 =	sadd.s32 $0x800, s4;
	s6 =	simm.s32 $0x400;
	s5 =	simm.s32 $0x1  }
0xb: {  	[tilespmem:s6], [sflag:$0x1] =	stream.linear.gather [hbm4b:s4+s3], $0x80, $0x38;
	[tilespmem:$0x480] =	vst v63  }
0xc: {  	_ =	swait.ge [sflag:s5], $0x80  }
0xd: {  	[sflag:s5] =	ssyncset.done $0x0  }
0xe: {  	s7 =	sadd.s32 $0x200000, s7;
	[sflag:s5] =	ssyncadd.s32 $0xFFFFFF80  }
0xf: {  	[tilespmem:s3], [sflag:$0x1] =	stream.linear.gather [hbm4b:s7+s3], $0x400, $0x38;
	[tilespmem:$0x480] =	vst v63  }
0x10: {  	_ =	swait.ge [sflag:s5], $0x400  }
0x11: {  	[sflag:s5] =	ssyncset.done $0x0  }
0x12: {  	[sflag:s5] =	ssyncadd.s32 $0xFFFFFC00  }
0x13: {  	v0 =	vld [tilespmem:$0x400];
	_ =	sdelay $0x2  }
0x14: {  	v1 =	vld [tilespmem:$0x0];
	_ =	sdelay $0x1  }
0x15: {  	s8 =	ssub.s32 $0x2, s8;
	v0 =	vadd.f32 v0, v0  }
0x16: {  	vm0 =	vcmask $0x308;
	s9 =	sshrl.u32 s8, $0x1  }
0x17: {  	s8 =	ssub.s32 s8, s9;
	v0 =	vsel vm0, $0x0, v0  }
0x18: {  	p0 =	sne.s32 s8, $0x1;
	v0 =	vadd.f32 v0, v1  }
.Ltmp1:
0x19: {  	_ = 	snop;
	(pc) =	sbr.rel @!p0 .LBB2_3-.Ltmp1, $4  }
0x1a: {  	[tilespmem:$0x0] =	vst v0  }
0x1b: {  	[hbm4b:s2+s3] =	stream.linear.scatter [tilespmem:s3], [sflag:$0x1], $0x400, $0x38;
	[tilespmem:$0x480] =	vst v63  }
0x1c: {  	_ =	swait.ge [sflag:s5], $0x400  }
0x1d: {  	s8 =	sadd.s32 $0xFFFFFFFF, s8;
	[sflag:s5] =	ssyncset.done $0x0  }
.LBB2_2:
0x1e: {  	p0 =	sne.s32 s8, $0x1;
	s8 =	sadd.s32 $0xFFFFFFFF, s8;
	[sflag:s5] =	ssyncadd.s32 $0xFFFFFC00  }
0x1f: {  	[tilespmem:s6], [sflag:$0x1] =	stream.linear.gather [hbm4b:s4+s3], $0x80, $0x38;
	[tilespmem:$0x480] =	vst v63  }
0x20: {  	_ =	swait.ge [sflag:s5], $0x80  }
0x21: {  	[sflag:s5] =	ssyncset.done $0x0  }
0x22: {  	[sflag:s5] =	ssyncadd.s32 $0xFFFFFF80  }
0x23: {  	[tilespmem:s3], [sflag:$0x1] =	stream.linear.gather [hbm4b:s7+s3], $0x400, $0x38;
	[tilespmem:$0x480] =	vst v63  }
0x24: {  	_ =	swait.ge [sflag:s5], $0x400  }
0x25: {  	[sflag:s5] =	ssyncset.done $0x0  }
0x26: {  	[sflag:s5] =	ssyncadd.s32 $0xFFFFFC00  }
0x27: {  	v0 =	vld [tilespmem:$0x400];
	_ =	sdelay $0x2  }
0x28: {  	v1 =	vld [tilespmem:$0x0];
	_ =	sdelay $0x1  }
0x29: {  	v0 =	vadd.f32 v0, v0;
	_ =	sdelay $0x1  }
0x2a: {  	v0 =	vsel vm0, $0x0, v0  }
0x2b: {  	v0 =	vadd.f32 v0, v1  }
.Ltmp2:
0x2c: {  	(pc) =	sbr.rel @p0 .LBB2_2-.Ltmp2, $4  }
0x2d: {  	[tilespmem:$0x0] =	vst v0  }
0x2e: {  	[hbm4b:s2+s3] =	stream.linear.scatter [tilespmem:s3], [sflag:$0x1], $0x400, $0x38;
	[tilespmem:$0x480] =	vst v63  }
0x2f: {  	_ =	swait.ge [sflag:s5], $0x400  }
0x30: {  	[sflag:s5] =	ssyncset.done $0x0  }
.LBB2_3:
0x31: {  	[sflag:s5] =	ssyncadd.s32 $0xFFFFFC00  }
.LBB2_4:
0x32: {  	_ =	sfence.sel $0x180000  }
0x33: {  	[bflag:$0x0] =	sbarrier.arrive $0xFFFF  }
0x34: {  	p0 =	sne.s32 s1, $0x0;
	_ =	strace $0x90000047  }
0x35: {  	s0 =	sadd.s32 @!p0 $0x100000, s0;
	[bflag:$0x2] =	sbarrier.arrive $0xFFFF  }
0x36: {  	[sflag:s0] =	ssyncadd.tile.s32 @!p0 $0x1;
	_ =	shalt  }
.Lfunc_end2:
_tile_overlayer_lowered:
.L_overlay_start_2:
0x37: {  	(tag) =	ssettag $0x2  }
0x38: {  	s0 =	rddreg [dreg:$0x0];
	s2 =	stileid.u32  }
0x39: {  	s1 =	rddreg [dreg:$0x1];
	p0 =	sne.s32 s2, $0x0  }
0x3a: {  	s3 =	rddreg [dreg:$0x2];
	[bflag:$0x3] =	sbarrier.arrive $0xFFFF;
	s2 =	simm.s32 @!p0 $0x1C01  }
0x3b: {  	[timem:s3], [sflag:s2] =	dma.local @!p0 [hbm:s0], s1  }
0x3c: {  	s0 =	simm.s32 @!p0 $0x1  }
0x3d: {  	_ =	swait.ge @!p0 [sflag:s0], s1  }
0x3e: {  	s1 =	ssub.s32 @!p0 $0x0, s1;
	[sflag:s0] =	ssyncset.done @!p0 $0x0  }
0x3f: {  	[sflag:s0] =	ssyncadd.s32 @!p0 s1  }
0x40: {  	[bflag:$0x3] =	sbarrier.arrive $0xFFFF  }
0x41: {  	_ =	shalt  }

</sc_bundles>
